<compile_context>
chip_gen: v7x
topology: tpu7x:2x2x1
jax: 0.10.2.dev20260603
libtpu: 0.0.44.dev20260713+nightly
codegen_flags: <defaults>
</compile_context>

<pallas_src>
import functools

import jax
import jax.numpy as jnp
from jax import lax
from jax.experimental import pallas as pl
from jax.experimental.pallas import tpu as pltpu
from jax.experimental.pallas import tpu_sc as plsc

N = 10000
D = 128
E = 320000
NW = 32
CH = 128
K = 80
PADE = NW * CH * K
ROWS = 10112
DUMMY = 10048
STRIPE = ROWS // 16
TB = 2000


def _mesh():
    return plsc.VectorSubcoreMesh(core_axis_name="c", subcore_axis_name="s")


def _sc_degree(dstp, zeros16):

    @functools.partial(
        pl.kernel,
        out_type=jax.ShapeDtypeStruct((2 * ROWS, 16), jnp.float32),
        mesh=_mesh(),
        scratch_types=[
            pltpu.VMEM((K, CH), jnp.int32),
            pltpu.VMEM((CH, 16), jnp.float32),
            pltpu.VMEM_SHARED((ROWS, 16), jnp.float32),
        ],
    )
    def run(dst_hbm, z_hbm, deg_hbm, dst_v, ones_v, acc):
        c = lax.axis_index("c")
        s = lax.axis_index("s")
        wid = s * 2 + c

        @pl.loop(0, CH)
        def _(r):
            ones_v[r] = jnp.ones((16,), jnp.float32)

        pltpu.sync_copy(dst_hbm.at[pl.ds(wid * K, K)], dst_v)
        pltpu.sync_copy(z_hbm.at[pl.ds(s * STRIPE, STRIPE)],
                        acc.at[pl.ds(s * STRIPE, STRIPE)])
        plsc.subcore_barrier()

        @pl.loop(0, K)
        def _(j):
            pltpu.sync_copy(ones_v, acc.at[dst_v.at[j]], add=True)

        plsc.subcore_barrier()
        pltpu.sync_copy(acc.at[pl.ds(s * STRIPE, STRIPE)],
                        deg_hbm.at[pl.ds(c * ROWS + s * STRIPE, STRIPE)])

    return run(dstp, zeros16)


SUB = 4
SW = CH // SUB
GG = 40


def _sc_scatter(g, srcp, dstp, zeros128):

    @functools.partial(
        pl.kernel,
        out_type=jax.ShapeDtypeStruct((2 * ROWS, D), jnp.float32),
        mesh=_mesh(),
        scratch_types=[
            pltpu.VMEM((GG, CH), jnp.int32),
            pltpu.VMEM((GG, CH), jnp.int32),
            pltpu.VMEM((CH, D), jnp.float32),
            pltpu.VMEM((CH, D), jnp.float32),
            pltpu.VMEM_SHARED((ROWS, D), jnp.float32),
            pltpu.SemaphoreType.DMA,
            pltpu.SemaphoreType.DMA,
        ],
    )
    def run(g_hbm, src_hbm, dst_hbm, z_hbm, out_hbm, src_v, dst_v,
            rows_a, rows_b, acc, sem_a, sem_b):
        c = lax.axis_index("c")
        s = lax.axis_index("s")
        wid = s * 2 + c
        bufs = (rows_a, rows_b)
        sems = (sem_a, sem_b)

        def gather(j, b):
            for q in range(SUB):
                pltpu.async_copy(g_hbm.at[src_v.at[j, pl.ds(q * SW, SW)]],
                                 bufs[b].at[pl.ds(q * SW, SW)], sems[b])

        def wait_scatter(j, b):
            pltpu.make_async_copy(g_hbm.at[dst_v.at[j]], bufs[b], sems[b]).wait()
            pltpu.sync_copy(bufs[b], acc.at[dst_v.at[j]], add=True)

        pltpu.sync_copy(z_hbm.at[pl.ds(s * STRIPE, STRIPE)],
                        acc.at[pl.ds(s * STRIPE, STRIPE)])
        plsc.subcore_barrier()

        @pl.loop(0, K // GG)
        def _(h):
            base = wid * K + h * GG
            pltpu.sync_copy(src_hbm.at[pl.ds(base, GG)], src_v)
            pltpu.sync_copy(dst_hbm.at[pl.ds(base, GG)], dst_v)
            gather(0, 0)
            gather(1, 1)

            @pl.loop(0, GG // 2 - 1)
            def _(t):
                j = t * 2
                wait_scatter(j, 0)
                gather(j + 2, 0)
                wait_scatter(j + 1, 1)
                gather(j + 3, 1)

            wait_scatter(GG - 2, 0)
            wait_scatter(GG - 1, 1)

        plsc.subcore_barrier()
        pltpu.sync_copy(acc.at[pl.ds(s * STRIPE, STRIPE)],
                        out_hbm.at[pl.ds(c * ROWS + s * STRIPE, STRIPE)])

    return run(g, srcp, dstp, zeros128)


def _tc_matmul(x, W):
    def body(x_ref, w_ref, o_ref):
        o_ref[...] = jnp.dot(x_ref[...], w_ref[...],
                             preferred_element_type=jnp.float32)

    return pl.pallas_call(
        body,
        grid=(N // TB,),
        in_specs=[pl.BlockSpec((TB, D), lambda i: (i, 0)),
                  pl.BlockSpec((D, D), lambda i: (0, 0))],
        out_specs=pl.BlockSpec((TB, D), lambda i: (i, 0)),
        out_shape=jax.ShapeDtypeStruct((N, D), jnp.float32),
    )(x, W)


def _dinv_block(d0_ref, d1_ref):
    deg = d0_ref[:, 0:1] + d1_ref[:, 0:1] + 1.0
    return lax.rsqrt(deg)


def _tc_scale(h, d0, d1):
    def body(h_ref, d0_ref, d1_ref, o_ref):
        o_ref[...] = h_ref[...] * _dinv_block(d0_ref, d1_ref)

    return pl.pallas_call(
        body,
        grid=(N // TB,),
        in_specs=[pl.BlockSpec((TB, D), lambda i: (i, 0)),
                  pl.BlockSpec((TB, 16), lambda i: (i, 0)),
                  pl.BlockSpec((TB, 16), lambda i: (i, 0))],
        out_specs=pl.BlockSpec((TB, D), lambda i: (i, 0)),
        out_shape=jax.ShapeDtypeStruct((N, D), jnp.float32),
    )(h, d0, d1)


def _tc_mid(p0, p1, g1, d0, d1, b1, W2):
    def body(p0_ref, p1_ref, g_ref, d0_ref, d1_ref, b_ref, w_ref, o_ref):
        dinv = _dinv_block(d0_ref, d1_ref)
        t = (p0_ref[...] + p1_ref[...] + g_ref[...]) * dinv + b_ref[...]
        t = jnp.maximum(t, 0.0)
        o_ref[...] = jnp.dot(t, w_ref[...],
                             preferred_element_type=jnp.float32) * dinv

    return pl.pallas_call(
        body,
        grid=(N // TB,),
        in_specs=[pl.BlockSpec((TB, D), lambda i: (i, 0)),
                  pl.BlockSpec((TB, D), lambda i: (i, 0)),
                  pl.BlockSpec((TB, D), lambda i: (i, 0)),
                  pl.BlockSpec((TB, 16), lambda i: (i, 0)),
                  pl.BlockSpec((TB, 16), lambda i: (i, 0)),
                  pl.BlockSpec((1, D), lambda i: (0, 0)),
                  pl.BlockSpec((D, D), lambda i: (0, 0))],
        out_specs=pl.BlockSpec((TB, D), lambda i: (i, 0)),
        out_shape=jax.ShapeDtypeStruct((N, D), jnp.float32),
    )(p0, p1, g1, d0, d1, b1, W2)


def _tc_fin(q0, q1, g2, d0, d1, b2):
    def body(q0_ref, q1_ref, g_ref, d0_ref, d1_ref, b_ref, o_ref):
        dinv = _dinv_block(d0_ref, d1_ref)
        o_ref[...] = (q0_ref[...] + q1_ref[...] + g_ref[...]) * dinv + b_ref[...]

    return pl.pallas_call(
        body,
        grid=(N // TB,),
        in_specs=[pl.BlockSpec((TB, D), lambda i: (i, 0)),
                  pl.BlockSpec((TB, D), lambda i: (i, 0)),
                  pl.BlockSpec((TB, D), lambda i: (i, 0)),
                  pl.BlockSpec((TB, 16), lambda i: (i, 0)),
                  pl.BlockSpec((TB, 16), lambda i: (i, 0)),
                  pl.BlockSpec((1, D), lambda i: (0, 0))],
        out_specs=pl.BlockSpec((TB, D), lambda i: (i, 0)),
        out_shape=jax.ShapeDtypeStruct((N, D), jnp.float32),
    )(q0, q1, g2, d0, d1, b2)


def kernel(x, edge_index, W1, b1, W2, b2):
    ei = edge_index.astype(jnp.int32)
    pad = PADE - E
    idx = jnp.arange(pad, dtype=jnp.int32)
    src_flat = jnp.concatenate([ei[0], idx % N])
    dst_flat = jnp.concatenate([ei[1], N + idx % (ROWS - N)])
    srcp = src_flat.reshape(NW * K, CH)
    dstp = dst_flat.reshape(NW * K, CH)
    zeros16 = jnp.zeros((ROWS, 16), jnp.float32)
    zeros128 = jnp.zeros((ROWS, D), jnp.float32)
    b1r = b1.reshape(1, D)
    b2r = b2.reshape(1, D)

    degp = _sc_degree(dstp, zeros16)
    h1 = _tc_matmul(x, W1)
    d0, d1 = degp[:N], degp[ROWS:ROWS + N]
    g1 = _tc_scale(h1, d0, d1)
    p = _sc_scatter(g1, srcp, dstp, zeros128)
    g2 = _tc_mid(p[:N], p[ROWS:ROWS + N], g1, d0, d1, b1r, W2)
    q = _sc_scatter(g2, srcp, dstp, zeros128)
    return _tc_fin(q[:N], q[ROWS:ROWS + N], g2, d0, d1, b2r)

# --- scband reference (transcript-rebuilt; emitter-appended) ---
"""Pipeline reference for scband-gcn-14491219657218 (READ-ONLY COPY).

The authoritative reference and input builder live on the scoring server;
editing this copy changes nothing except your own understanding.
"""

import jax, jax.numpy as jnp
import numpy as np

N_NODES = 10000
N_EDGES = 320000
D = 128


def setup_inputs(seed: int = 0) -> dict:
    key = jax.random.key(seed)
    k1, k2, k3, k4, k5, k6 = jax.random.split(key, 6)
    x = jax.random.normal(k1, (N_NODES, D), dtype=jnp.float32)
    edge_index = jax.random.randint(k2, (2, N_EDGES), 0, N_NODES, dtype=jnp.int64)
    # GCNConv weights (glorot-like) and biases for two layers: n_dims=[128,128,128]
    s = 1.0 / np.sqrt(D)
    W1 = jax.random.uniform(k3, (D, D), dtype=jnp.float32, minval=-s, maxval=s)
    b1 = jnp.zeros((D,), dtype=jnp.float32)
    W2 = jax.random.uniform(k4, (D, D), dtype=jnp.float32, minval=-s, maxval=s)
    b2 = jnp.zeros((D,), dtype=jnp.float32)
    return {"x": x, "edge_index": edge_index, "W1": W1, "b1": b1, "W2": W2, "b2": b2}


def _gcn_conv(x, src, dst, W, b, num_nodes):
    # symmetric-normalized GCN conv with self-loops (PyG GCNConv semantics, eval mode)
    deg = jnp.zeros((num_nodes,), dtype=x.dtype).at[dst].add(1.0)
    dinv = jnp.where(deg > 0, deg ** -0.5, 0.0)
    norm = dinv[src] * dinv[dst]
    h = x @ W
    msg = h[src] * norm[:, None]
    out = jnp.zeros((num_nodes, h.shape[1]), dtype=x.dtype).at[dst].add(msg)
    return out + b


def reference(x, edge_index, W1, b1, W2, b2):
    num_nodes = x.shape[0]
    loops = jnp.arange(num_nodes, dtype=edge_index.dtype)
    src = jnp.concatenate([edge_index[0], loops])
    dst = jnp.concatenate([edge_index[1], loops])
    # layer 1 + ReLU (dropout is identity in eval mode)
    h = _gcn_conv(x, src, dst, W1, b1, num_nodes)
    h = jax.nn.relu(h)
    # final layer, no activation
    out = _gcn_conv(h, src, dst, W2, b2, num_nodes)
    return out

if __name__ == "__main__":
    import jax
    _d = setup_inputs()
    print(jax.jit(kernel)(*tuple(_d.values())))

</pallas_src>

<mosaic_0001>
#map = affine_map<(d0, d1) -> (0, 0)>
module attributes {stable_mosaic.version = 14 : i64} {
  func.func @run(%arg0: i32, %arg1: i32, %arg2: memref<2560x128xi32, #tpu.memory_space<hbm>>, %arg3: memref<10112x16xf32, #tpu.memory_space<hbm>>, %arg4: memref<20224x16xf32, #tpu.memory_space<hbm>>, %arg5: memref<80x128xi32, #tpu.memory_space<vmem>>, %arg6: memref<128x16xf32, #tpu.memory_space<vmem>>, %arg7: memref<10112x16xf32, #tpu.memory_space<vmem_shared>>) attributes {dimension_semantics = [#tpu.dimension_semantics<core_parallel>, #tpu.dimension_semantics<subcore_parallel>], iteration_bounds = array<i64: 2, 16>, scalar_prefetch = 0 : i64, scratch_operands = 3 : i64, tpu.core_type = #tpu.core_type<sc_vector_subcore>, window_params = [{transform_indices = #map}, {transform_indices = #map}, {transform_indices = #map}]} {
    %mul3A = arith.constant 2 : i32
    %mul3A_0 = arith.muli %arg1, %mul3A : i32
    %add3A = arith.addi %mul3A_0, %arg0 : i32
    %scan3A = arith.constant 0 : i32
    %scan3A_1 = arith.constant 128 : i32
    %scan3A_2 = arith.addi %scan3A, %scan3A_1 : i32
    %scan3A_3 = arith.constant 1 : i32
    scf.for %scan3A_24 = %scan3A to %scan3A_2 step %scan3A_3  : i32 {
      %mul3A_25 = arith.constant 1 : i32
      %mul3A_26 = arith.muli %scan3A_24, %mul3A_25 : i32
      %add3A_27 = arith.constant 0 : i32
      %add3A_28 = arith.addi %add3A_27, %mul3A_26 : i32
      %broadcast_in_dim3A = arith.constant 1.000000e+00 : f32
      %broadcast_in_dim3A_29 = vector.broadcast %broadcast_in_dim3A : f32 to vector<16xf32>
      %swap3A = arith.index_cast %add3A_28 : i32 to index
      %swap3A_30 = arith.constant 0 : index
      %swap3A_31 = tpu.vector_load %arg6[%swap3A, %swap3A_30] {strides = array<i32>} : memref<128x16xf32, #tpu.memory_space<vmem>>, vector<1x16xf32>,
      %swap3A_32 = vector.shape_cast %swap3A_31 : vector<1x16xf32> to vector<16xf32>
      %swap3A_33 = vector.shape_cast %broadcast_in_dim3A_29 : vector<16xf32> to vector<1x16xf32>
      tpu.vector_store %arg6[%swap3A, %swap3A_30], %swap3A_33 {strides = array<i32>} : memref<128x16xf32, #tpu.memory_space<vmem>>, vector<1x16xf32>,
    }
    %scan3A_4 = arith.constant 128 : i32
    %mul3A_5 = arith.constant 80 : i32
    %mul3A_6 = arith.muli %add3A, %mul3A_5 : i32
    "tpu.region"() ({
      %run_scoped3A = tpu.sem_alloc : memref<!tpu.dma_semaphore, #tpu.memory_space<semaphore_mem>>
      %dma_start3A = arith.constant 0 : i32
      %dma_start3A_24 = tpu.memref_slice %arg2[%mul3A_6, %dma_start3A] : memref<2560x128xi32, #tpu.memory_space<hbm>> -> memref<80x128xi32, #tpu.memory_space<hbm>>
      %dma_start3A_25 = arith.constant 0 : i32
      %dma_start3A_26 = tpu.memref_slice %arg2[%mul3A_6, %dma_start3A_25] : memref<2560x128xi32, #tpu.memory_space<hbm>> -> memref<80x128xi32, #tpu.memory_space<hbm>>
      tpu.enqueue_dma source(%dma_start3A_26 : memref<80x128xi32, #tpu.memory_space<hbm>>) target(%arg5 : memref<80x128xi32, #tpu.memory_space<vmem>>) target_semaphore(%run_scoped3A : memref<!tpu.dma_semaphore, #tpu.memory_space<semaphore_mem>>)
      %dma_wait3A = arith.constant 0 : i32
      %dma_wait3A_27 = tpu.memref_slice %arg2[%mul3A_6, %dma_wait3A] : memref<2560x128xi32, #tpu.memory_space<hbm>> -> memref<80x128xi32, #tpu.memory_space<hbm>>
      %dma_wait3A_28 = arith.constant 0 : i32
      %dma_wait3A_29 = tpu.memref_slice %arg2[%mul3A_6, %dma_wait3A_28] : memref<2560x128xi32, #tpu.memory_space<hbm>> -> memref<80x128xi32, #tpu.memory_space<hbm>>
      tpu.wait_dma2 semaphore(%run_scoped3A : memref<!tpu.dma_semaphore, #tpu.memory_space<semaphore_mem>>) src(%dma_wait3A_29 : memref<80x128xi32, #tpu.memory_space<hbm>>) dst(%arg5 : memref<80x128xi32, #tpu.memory_space<vmem>>)
      tpu.yield
    }) : () -> ()
    %mul3A_7 = arith.constant 632 : i32
    %mul3A_8 = arith.muli %arg1, %mul3A_7 : i32
    %mul3A_9 = arith.constant 632 : i32
    %mul3A_10 = arith.muli %arg1, %mul3A_9 : i32
    "tpu.region"() ({
      %run_scoped3A = tpu.sem_alloc : memref<!tpu.dma_semaphore, #tpu.memory_space<semaphore_mem>>
      %dma_start3A = arith.constant 0 : i32
      %dma_start3A_24 = tpu.memref_slice %arg7[%mul3A_10, %dma_start3A] : memref<10112x16xf32, #tpu.memory_space<vmem_shared>> -> memref<632x16xf32, #tpu.memory_space<vmem_shared>>
      %dma_start3A_25 = arith.constant 0 : i32
      %dma_start3A_26 = tpu.memref_slice %arg3[%mul3A_8, %dma_start3A_25] : memref<10112x16xf32, #tpu.memory_space<hbm>> -> memref<632x16xf32, #tpu.memory_space<hbm>>
      tpu.enqueue_dma source(%dma_start3A_26 : memref<632x16xf32, #tpu.memory_space<hbm>>) target(%dma_start3A_24 : memref<632x16xf32, #tpu.memory_space<vmem_shared>>) target_semaphore(%run_scoped3A : memref<!tpu.dma_semaphore, #tpu.memory_space<semaphore_mem>>)
      %dma_wait3A = arith.constant 0 : i32
      %dma_wait3A_27 = tpu.memref_slice %arg7[%mul3A_10, %dma_wait3A] : memref<10112x16xf32, #tpu.memory_space<vmem_shared>> -> memref<632x16xf32, #tpu.memory_space<vmem_shared>>
      %dma_wait3A_28 = arith.constant 0 : i32
      %dma_wait3A_29 = tpu.memref_slice %arg3[%mul3A_8, %dma_wait3A_28] : memref<10112x16xf32, #tpu.memory_space<hbm>> -> memref<632x16xf32, #tpu.memory_space<hbm>>
      tpu.wait_dma2 semaphore(%run_scoped3A : memref<!tpu.dma_semaphore, #tpu.memory_space<semaphore_mem>>) src(%dma_wait3A_29 : memref<632x16xf32, #tpu.memory_space<hbm>>) dst(%dma_wait3A_27 : memref<632x16xf32, #tpu.memory_space<vmem_shared>>)
      tpu.yield
    }) : () -> ()
    %barrier3A = arith.constant 0 : index
    tpu.barrier barrier_id(%barrier3A)
    %scan3A_11 = arith.constant 0 : i32
    %scan3A_12 = arith.constant 80 : i32
    %scan3A_13 = arith.addi %scan3A_11, %scan3A_12 : i32
    %scan3A_14 = arith.constant 1 : i32
    scf.for %scan3A_24 = %scan3A_11 to %scan3A_13 step %scan3A_14  : i32 {
      %mul3A_25 = arith.constant 1 : i32
      %mul3A_26 = arith.muli %scan3A_24, %mul3A_25 : i32
      %add3A_27 = arith.constant 0 : i32
      %add3A_28 = arith.addi %add3A_27, %mul3A_26 : i32
      "tpu.region"() ({
        %run_scoped3A = tpu.sem_alloc : memref<!tpu.dma_semaphore, #tpu.memory_space<semaphore_mem>>
        %dma_start3A = arith.constant 0 : i32
        %dma_start3A_29 = tpu.memref_slice %arg5[%add3A_28, %dma_start3A] : memref<80x128xi32, #tpu.memory_space<vmem>> -> memref<1x128xi32, #tpu.memory_space<vmem>>
        %dma_start3A_30 = tpu.memref_squeeze %dma_start3A_29 : memref<1x128xi32, #tpu.memory_space<vmem>> -> memref<128xi32, #tpu.memory_space<vmem>>
        %dma_start3A_31 = arith.constant 0 : i32
        %dma_start3A_32 = arith.constant 0 : i32
        %dma_start3A_33 = tpu.memref_slice %arg7[%dma_start3A_31, %dma_start3A_32] : memref<10112x16xf32, #tpu.memory_space<vmem_shared>> -> memref<10112x16xf32, #tpu.memory_space<vmem_shared>>
        tpu.enqueue_indirect_dma source(%arg6 : memref<128x16xf32, #tpu.memory_space<vmem>>) target(%dma_start3A_33 : memref<10112x16xf32, #tpu.memory_space<vmem_shared>>) offsets(%dma_start3A_30 : memref<128xi32, #tpu.memory_space<vmem>>) semaphore(%run_scoped3A : memref<!tpu.dma_semaphore, #tpu.memory_space<semaphore_mem>>) {add = true}
        %dma_wait3A = arith.constant 0 : i32
        %dma_wait3A_34 = tpu.memref_slice %arg5[%add3A_28, %dma_wait3A] : memref<80x128xi32, #tpu.memory_space<vmem>> -> memref<1x128xi32, #tpu.memory_space<vmem>>
        %dma_wait3A_35 = tpu.memref_squeeze %dma_wait3A_34 : memref<1x128xi32, #tpu.memory_space<vmem>> -> memref<128xi32, #tpu.memory_space<vmem>>
        %dma_wait3A_36 = arith.constant 0 : i32
        %dma_wait3A_37 = arith.constant 0 : i32
        %dma_wait3A_38 = tpu.memref_slice %arg7[%dma_wait3A_36, %dma_wait3A_37] : memref<10112x16xf32, #tpu.memory_space<vmem_shared>> -> memref<10112x16xf32, #tpu.memory_space<vmem_shared>>
        tpu.wait_indirect_dma semaphore(%run_scoped3A : memref<!tpu.dma_semaphore, #tpu.memory_space<semaphore_mem>>) src(%arg6 : memref<128x16xf32, #tpu.memory_space<vmem>>) dst(%dma_wait3A_38 : memref<10112x16xf32, #tpu.memory_space<vmem_shared>>)
        tpu.yield
      }) : () -> ()
    }
    %scan3A_15 = arith.constant 80 : i32
    %barrier3A_16 = arith.constant 0 : index
    tpu.barrier barrier_id(%barrier3A_16)
    %mul3A_17 = arith.constant 632 : i32
    %mul3A_18 = arith.muli %arg1, %mul3A_17 : i32
    %mul3A_19 = arith.constant 10112 : i32
    %mul3A_20 = arith.muli %arg0, %mul3A_19 : i32
    %mul3A_21 = arith.constant 632 : i32
    %mul3A_22 = arith.muli %arg1, %mul3A_21 : i32
    %add3A_23 = arith.addi %mul3A_20, %mul3A_22 : i32
    "tpu.region"() ({
      %run_scoped3A = tpu.sem_alloc : memref<!tpu.dma_semaphore, #tpu.memory_space<semaphore_mem>>
      %dma_start3A = arith.constant 0 : i32
      %dma_start3A_24 = tpu.memref_slice %arg4[%add3A_23, %dma_start3A] : memref<20224x16xf32, #tpu.memory_space<hbm>> -> memref<632x16xf32, #tpu.memory_space<hbm>>
      %dma_start3A_25 = arith.constant 0 : i32
      %dma_start3A_26 = tpu.memref_slice %arg7[%mul3A_18, %dma_start3A_25] : memref<10112x16xf32, #tpu.memory_space<vmem_shared>> -> memref<632x16xf32, #tpu.memory_space<vmem_shared>>
      tpu.enqueue_dma source(%dma_start3A_26 : memref<632x16xf32, #tpu.memory_space<vmem_shared>>) target(%dma_start3A_24 : memref<632x16xf32, #tpu.memory_space<hbm>>) target_semaphore(%run_scoped3A : memref<!tpu.dma_semaphore, #tpu.memory_space<semaphore_mem>>)
      %dma_wait3A = arith.constant 0 : i32
      %dma_wait3A_27 = tpu.memref_slice %arg4[%add3A_23, %dma_wait3A] : memref<20224x16xf32, #tpu.memory_space<hbm>> -> memref<632x16xf32, #tpu.memory_space<hbm>>
      %dma_wait3A_28 = arith.constant 0 : i32
      %dma_wait3A_29 = tpu.memref_slice %arg7[%mul3A_18, %dma_wait3A_28] : memref<10112x16xf32, #tpu.memory_space<vmem_shared>> -> memref<632x16xf32, #tpu.memory_space<vmem_shared>>
      tpu.wait_dma2 semaphore(%run_scoped3A : memref<!tpu.dma_semaphore, #tpu.memory_space<semaphore_mem>>) src(%dma_wait3A_29 : memref<632x16xf32, #tpu.memory_space<vmem_shared>>) dst(%dma_wait3A_27 : memref<632x16xf32, #tpu.memory_space<hbm>>)
      tpu.yield
    }) : () -> ()
    return
  }
}

#map = affine_map<(d0, d1) -> (0, 0)>
module attributes {stable_mosaic.version = 14 : i64} {
  func.func @run(%arg0: i32, %arg1: i32, %arg2: memref<10000x128xf32, #tpu.memory_space<hbm>>, %arg3: memref<2560x128xi32, #tpu.memory_space<hbm>>, %arg4: memref<2560x128xi32, #tpu.memory_space<hbm>>, %arg5: memref<10112x128xf32, #tpu.memory_space<hbm>>, %arg6: memref<20224x128xf32, #tpu.memory_space<hbm>>, %arg7: memref<40x128xi32, #tpu.memory_space<vmem>>, %arg8: memref<40x128xi32, #tpu.memory_space<vmem>>, %arg9: memref<128x128xf32, #tpu.memory_space<vmem>>, %arg10: memref<128x128xf32, #tpu.memory_space<vmem>>, %arg11: memref<10112x128xf32, #tpu.memory_space<vmem_shared>>, %arg12: memref<!tpu.dma_semaphore, #tpu.memory_space<semaphore_mem>>, %arg13: memref<!tpu.dma_semaphore, #tpu.memory_space<semaphore_mem>>) attributes {dimension_semantics = [#tpu.dimension_semantics<core_parallel>, #tpu.dimension_semantics<subcore_parallel>], iteration_bounds = array<i64: 2, 16>, scalar_prefetch = 0 : i64, scratch_operands = 7 : i64, tpu.core_type = #tpu.core_type<sc_vector_subcore>, window_params = [{transform_indices = #map}, {transform_indices = #map}, {transform_indices = #map}, {transform_indices = #map}, {transform_indices = #map}]} {
    %mul3A = arith.constant 2 : i32
    %mul3A_0 = arith.muli %arg1, %mul3A : i32
    %add3A = arith.addi %mul3A_0, %arg0 : i32
    %mul3A_1 = arith.constant 632 : i32
    %mul3A_2 = arith.muli %arg1, %mul3A_1 : i32
    %mul3A_3 = arith.constant 632 : i32
    %mul3A_4 = arith.muli %arg1, %mul3A_3 : i32
    "tpu.region"() ({
      %run_scoped3A = tpu.sem_alloc : memref<!tpu.dma_semaphore, #tpu.memory_space<semaphore_mem>>
      %dma_start3A = arith.constant 0 : i32
      %dma_start3A_17 = tpu.memref_slice %arg11[%mul3A_4, %dma_start3A] : memref<10112x128xf32, #tpu.memory_space<vmem_shared>> -> memref<632x128xf32, #tpu.memory_space<vmem_shared>>
      %dma_start3A_18 = arith.constant 0 : i32
      %dma_start3A_19 = tpu.memref_slice %arg5[%mul3A_2, %dma_start3A_18] : memref<10112x128xf32, #tpu.memory_space<hbm>> -> memref<632x128xf32, #tpu.memory_space<hbm>>
      tpu.enqueue_dma source(%dma_start3A_19 : memref<632x128xf32, #tpu.memory_space<hbm>>) target(%dma_start3A_17 : memref<632x128xf32, #tpu.memory_space<vmem_shared>>) target_semaphore(%run_scoped3A : memref<!tpu.dma_semaphore, #tpu.memory_space<semaphore_mem>>)
      %dma_wait3A = arith.constant 0 : i32
      %dma_wait3A_20 = tpu.memref_slice %arg11[%mul3A_4, %dma_wait3A] : memref<10112x128xf32, #tpu.memory_space<vmem_shared>> -> memref<632x128xf32, #tpu.memory_space<vmem_shared>>
      %dma_wait3A_21 = arith.constant 0 : i32
      %dma_wait3A_22 = tpu.memref_slice %arg5[%mul3A_2, %dma_wait3A_21] : memref<10112x128xf32, #tpu.memory_space<hbm>> -> memref<632x128xf32, #tpu.memory_space<hbm>>
      tpu.wait_dma2 semaphore(%run_scoped3A : memref<!tpu.dma_semaphore, #tpu.memory_space<semaphore_mem>>) src(%dma_wait3A_22 : memref<632x128xf32, #tpu.memory_space<hbm>>) dst(%dma_wait3A_20 : memref<632x128xf32, #tpu.memory_space<vmem_shared>>)
      tpu.yield
    }) : () -> ()
    %barrier3A = arith.constant 0 : index
    tpu.barrier barrier_id(%barrier3A)
    %scan3A = arith.constant 0 : i32
    %scan3A_5 = arith.constant 2 : i32
    %scan3A_6 = arith.addi %scan3A, %scan3A_5 : i32
    %scan3A_7 = arith.constant 1 : i32
    scf.for %scan3A_17 = %scan3A to %scan3A_6 step %scan3A_7  : i32 {
      %mul3A_18 = arith.constant 1 : i32
      %mul3A_19 = arith.muli %scan3A_17, %mul3A_18 : i32
      %add3A_20 = arith.constant 0 : i32
      %add3A_21 = arith.addi %add3A_20, %mul3A_19 : i32
      %mul3A_22 = arith.constant 80 : i32
      %mul3A_23 = arith.muli %add3A, %mul3A_22 : i32
      %mul3A_24 = arith.constant 40 : i32
      %mul3A_25 = arith.muli %add3A_21, %mul3A_24 : i32
      %add3A_26 = arith.addi %mul3A_23, %mul3A_25 : i32
      "tpu.region"() ({
        %run_scoped3A_125 = tpu.sem_alloc : memref<!tpu.dma_semaphore, #tpu.memory_space<semaphore_mem>>
        %dma_start3A_126 = arith.constant 0 : i32
        %dma_start3A_127 = tpu.memref_slice %arg3[%add3A_26, %dma_start3A_126] : memref<2560x128xi32, #tpu.memory_space<hbm>> -> memref<40x128xi32, #tpu.memory_space<hbm>>
        %dma_start3A_128 = arith.constant 0 : i32
        %dma_start3A_129 = tpu.memref_slice %arg3[%add3A_26, %dma_start3A_128] : memref<2560x128xi32, #tpu.memory_space<hbm>> -> memref<40x128xi32, #tpu.memory_space<hbm>>
        tpu.enqueue_dma source(%dma_start3A_129 : memref<40x128xi32, #tpu.memory_space<hbm>>) target(%arg7 : memref<40x128xi32, #tpu.memory_space<vmem>>) target_semaphore(%run_scoped3A_125 : memref<!tpu.dma_semaphore, #tpu.memory_space<semaphore_mem>>)
        %dma_wait3A_130 = arith.constant 0 : i32
        %dma_wait3A_131 = tpu.memref_slice %arg3[%add3A_26, %dma_wait3A_130] : memref<2560x128xi32, #tpu.memory_space<hbm>> -> memref<40x128xi32, #tpu.memory_space<hbm>>
        %dma_wait3A_132 = arith.constant 0 : i32
        %dma_wait3A_133 = tpu.memref_slice %arg3[%add3A_26, %dma_wait3A_132] : memref<2560x128xi32, #tpu.memory_space<hbm>> -> memref<40x128xi32, #tpu.memory_space<hbm>>
        tpu.wait_dma2 semaphore(%run_scoped3A_125 : memref<!tpu.dma_semaphore, #tpu.memory_space<semaphore_mem>>) src(%dma_wait3A_133 : memref<40x128xi32, #tpu.memory_space<hbm>>) dst(%arg7 : memref<40x128xi32, #tpu.memory_space<vmem>>)
        tpu.yield
      }) : () -> ()
      "tpu.region"() ({
        %run_scoped3A_125 = tpu.sem_alloc : memref<!tpu.dma_semaphore, #tpu.memory_space<semaphore_mem>>
        %dma_start3A_126 = arith.constant 0 : i32
        %dma_start3A_127 = tpu.memref_slice %arg4[%add3A_26, %dma_start3A_126] : memref<2560x128xi32, #tpu.memory_space<hbm>> -> memref<40x128xi32, #tpu.memory_space<hbm>>
        %dma_start3A_128 = arith.constant 0 : i32
        %dma_start3A_129 = tpu.memref_slice %arg4[%add3A_26, %dma_start3A_128] : memref<2560x128xi32, #tpu.memory_space<hbm>> -> memref<40x128xi32, #tpu.memory_space<hbm>>
        tpu.enqueue_dma source(%dma_start3A_129 : memref<40x128xi32, #tpu.memory_space<hbm>>) target(%arg8 : memref<40x128xi32, #tpu.memory_space<vmem>>) target_semaphore(%run_scoped3A_125 : memref<!tpu.dma_semaphore, #tpu.memory_space<semaphore_mem>>)
        %dma_wait3A_130 = arith.constant 0 : i32
        %dma_wait3A_131 = tpu.memref_slice %arg4[%add3A_26, %dma_wait3A_130] : memref<2560x128xi32, #tpu.memory_space<hbm>> -> memref<40x128xi32, #tpu.memory_space<hbm>>
        %dma_wait3A_132 = arith.constant 0 : i32
        %dma_wait3A_133 = tpu.memref_slice %arg4[%add3A_26, %dma_wait3A_132] : memref<2560x128xi32, #tpu.memory_space<hbm>> -> memref<40x128xi32, #tpu.memory_space<hbm>>
        tpu.wait_dma2 semaphore(%run_scoped3A_125 : memref<!tpu.dma_semaphore, #tpu.memory_space<semaphore_mem>>) src(%dma_wait3A_133 : memref<40x128xi32, #tpu.memory_space<hbm>>) dst(%arg8 : memref<40x128xi32, #tpu.memory_space<vmem>>)
        tpu.yield
      }) : () -> ()
      %dma_start3A = arith.constant 0 : i32
      %dma_start3A_27 = arith.constant 0 : i32
      %dma_start3A_28 = arith.constant 0 : i32
      %dma_start3A_29 = tpu.memref_slice %arg9[%dma_start3A_27, %dma_start3A_28] : memref<128x128xf32, #tpu.memory_space<vmem>> -> memref<32x128xf32, #tpu.memory_space<vmem>>
      %dma_start3A_30 = arith.constant 0 : i32
      %dma_start3A_31 = tpu.memref_slice %arg7[%dma_start3A, %dma_start3A_30] : memref<40x128xi32, #tpu.memory_space<vmem>> -> memref<1x32xi32, #tpu.memory_space<vmem>>
      %dma_start3A_32 = tpu.memref_squeeze %dma_start3A_31 : memref<1x32xi32, #tpu.memory_space<vmem>> -> memref<32xi32, #tpu.memory_space<vmem>>
      %dma_start3A_33 = arith.constant 0 : i32
      %dma_start3A_34 = arith.constant 0 : i32
      %dma_start3A_35 = tpu.memref_slice %arg2[%dma_start3A_33, %dma_start3A_34] : memref<10000x128xf32, #tpu.memory_space<hbm>> -> memref<10000x128xf32, #tpu.memory_space<hbm>>
      tpu.enqueue_indirect_dma source(%dma_start3A_35 : memref<10000x128xf32, #tpu.memory_space<hbm>>) target(%dma_start3A_29 : memref<32x128xf32, #tpu.memory_space<vmem>>) offsets(%dma_start3A_32 : memref<32xi32, #tpu.memory_space<vmem>>) semaphore(%arg12 : memref<!tpu.dma_semaphore, #tpu.memory_space<semaphore_mem>>)
      %dma_start3A_36 = arith.constant 0 : i32
      %dma_start3A_37 = arith.constant 32 : i32
      %dma_start3A_38 = arith.constant 0 : i32
      %dma_start3A_39 = tpu.memref_slice %arg9[%dma_start3A_37, %dma_start3A_38] : memref<128x128xf32, #tpu.memory_space<vmem>> -> memref<32x128xf32, #tpu.memory_space<vmem>>
      %dma_start3A_40 = arith.constant 32 : i32
      %dma_start3A_41 = tpu.memref_slice %arg7[%dma_start3A_36, %dma_start3A_40] : memref<40x128xi32, #tpu.memory_space<vmem>> -> memref<1x32xi32, #tpu.memory_space<vmem>>
      %dma_start3A_42 = tpu.memref_squeeze %dma_start3A_41 : memref<1x32xi32, #tpu.memory_space<vmem>> -> memref<32xi32, #tpu.memory_space<vmem>>
      %dma_start3A_43 = arith.constant 0 : i32
      %dma_start3A_44 = arith.constant 0 : i32
      %dma_start3A_45 = tpu.memref_slice %arg2[%dma_start3A_43, %dma_start3A_44] : memref<10000x128xf32, #tpu.memory_space<hbm>> -> memref<10000x128xf32, #tpu.memory_space<hbm>>
      tpu.enqueue_indirect_dma source(%dma_start3A_45 : memref<10000x128xf32, #tpu.memory_space<hbm>>) target(%dma_start3A_39 : memref<32x128xf32, #tpu.memory_space<vmem>>) offsets(%dma_start3A_42 : memref<32xi32, #tpu.memory_space<vmem>>) semaphore(%arg12 : memref<!tpu.dma_semaphore, #tpu.memory_space<semaphore_mem>>)
      %dma_start3A_46 = arith.constant 0 : i32
      %dma_start3A_47 = arith.constant 64 : i32
      %dma_start3A_48 = arith.constant 0 : i32
      %dma_start3A_49 = tpu.memref_slice %arg9[%dma_start3A_47, %dma_start3A_48] : memref<128x128xf32, #tpu.memory_space<vmem>> -> memref<32x128xf32, #tpu.memory_space<vmem>>
      %dma_start3A_50 = arith.constant 64 : i32
      %dma_start3A_51 = tpu.memref_slice %arg7[%dma_start3A_46, %dma_start3A_50] : memref<40x128xi32, #tpu.memory_space<vmem>> -> memref<1x32xi32, #tpu.memory_space<vmem>>
      %dma_start3A_52 = tpu.memref_squeeze %dma_start3A_51 : memref<1x32xi32, #tpu.memory_space<vmem>> -> memref<32xi32, #tpu.memory_space<vmem>>
      %dma_start3A_53 = arith.constant 0 : i32
      %dma_start3A_54 = arith.constant 0 : i32
      %dma_start3A_55 = tpu.memref_slice %arg2[%dma_start3A_53, %dma_start3A_54] : memref<10000x128xf32, #tpu.memory_space<hbm>> -> memref<10000x128xf32, #tpu.memory_space<hbm>>
      tpu.enqueue_indirect_dma source(%dma_start3A_55 : memref<10000x128xf32, #tpu.memory_space<hbm>>) target(%dma_start3A_49 : memref<32x128xf32, #tpu.memory_space<vmem>>) offsets(%dma_start3A_52 : memref<32xi32, #tpu.memory_space<vmem>>) semaphore(%arg12 : memref<!tpu.dma_semaphore, #tpu.memory_space<semaphore_mem>>)
      %dma_start3A_56 = arith.constant 0 : i32
      %dma_start3A_57 = arith.constant 96 : i32
      %dma_start3A_58 = arith.constant 0 : i32
      %dma_start3A_59 = tpu.memref_slice %arg9[%dma_start3A_57, %dma_start3A_58] : memref<128x128xf32, #tpu.memory_space<vmem>> -> memref<32x128xf32, #tpu.memory_space<vmem>>
      %dma_start3A_60 = arith.constant 96 : i32
      %dma_start3A_61 = tpu.memref_slice %arg7[%dma_start3A_56, %dma_start3A_60] : memref<40x128xi32, #tpu.memory_space<vmem>> -> memref<1x32xi32, #tpu.memory_space<vmem>>
      %dma_start3A_62 = tpu.memref_squeeze %dma_start3A_61 : memref<1x32xi32, #tpu.memory_space<vmem>> -> memref<32xi32, #tpu.memory_space<vmem>>
      %dma_start3A_63 = arith.constant 0 : i32
      %dma_start3A_64 = arith.constant 0 : i32
      %dma_start3A_65 = tpu.memref_slice %arg2[%dma_start3A_63, %dma_start3A_64] : memref<10000x128xf32, #tpu.memory_space<hbm>> -> memref<10000x128xf32, #tpu.memory_space<hbm>>
      tpu.enqueue_indirect_dma source(%dma_start3A_65 : memref<10000x128xf32, #tpu.memory_space<hbm>>) target(%dma_start3A_59 : memref<32x128xf32, #tpu.memory_space<vmem>>) offsets(%dma_start3A_62 : memref<32xi32, #tpu.memory_space<vmem>>) semaphore(%arg12 : memref<!tpu.dma_semaphore, #tpu.memory_space<semaphore_mem>>)
      %dma_start3A_66 = arith.constant 1 : i32
      %dma_start3A_67 = arith.constant 0 : i32
      %dma_start3A_68 = arith.constant 0 : i32
      %dma_start3A_69 = tpu.memref_slice %arg10[%dma_start3A_67, %dma_start3A_68] : memref<128x128xf32, #tpu.memory_space<vmem>> -> memref<32x128xf32, #tpu.memory_space<vmem>>
      %dma_start3A_70 = arith.constant 0 : i32
      %dma_start3A_71 = tpu.memref_slice %arg7[%dma_start3A_66, %dma_start3A_70] : memref<40x128xi32, #tpu.memory_space<vmem>> -> memref<1x32xi32, #tpu.memory_space<vmem>>
      %dma_start3A_72 = tpu.memref_squeeze %dma_start3A_71 : memref<1x32xi32, #tpu.memory_space<vmem>> -> memref<32xi32, #tpu.memory_space<vmem>>
      %dma_start3A_73 = arith.constant 0 : i32
      %dma_start3A_74 = arith.constant 0 : i32
      %dma_start3A_75 = tpu.memref_slice %arg2[%dma_start3A_73, %dma_start3A_74] : memref<10000x128xf32, #tpu.memory_space<hbm>> -> memref<10000x128xf32, #tpu.memory_space<hbm>>
      tpu.enqueue_indirect_dma source(%dma_start3A_75 : memref<10000x128xf32, #tpu.memory_space<hbm>>) target(%dma_start3A_69 : memref<32x128xf32, #tpu.memory_space<vmem>>) offsets(%dma_start3A_72 : memref<32xi32, #tpu.memory_space<vmem>>) semaphore(%arg13 : memref<!tpu.dma_semaphore, #tpu.memory_space<semaphore_mem>>)
      %dma_start3A_76 = arith.constant 1 : i32
      %dma_start3A_77 = arith.constant 32 : i32
      %dma_start3A_78 = arith.constant 0 : i32
      %dma_start3A_79 = tpu.memref_slice %arg10[%dma_start3A_77, %dma_start3A_78] : memref<128x128xf32, #tpu.memory_space<vmem>> -> memref<32x128xf32, #tpu.memory_space<vmem>>
      %dma_start3A_80 = arith.constant 32 : i32
      %dma_start3A_81 = tpu.memref_slice %arg7[%dma_start3A_76, %dma_start3A_80] : memref<40x128xi32, #tpu.memory_space<vmem>> -> memref<1x32xi32, #tpu.memory_space<vmem>>
      %dma_start3A_82 = tpu.memref_squeeze %dma_start3A_81 : memref<1x32xi32, #tpu.memory_space<vmem>> -> memref<32xi32, #tpu.memory_space<vmem>>
      %dma_start3A_83 = arith.constant 0 : i32
      %dma_start3A_84 = arith.constant 0 : i32
      %dma_start3A_85 = tpu.memref_slice %arg2[%dma_start3A_83, %dma_start3A_84] : memref<10000x128xf32, #tpu.memory_space<hbm>> -> memref<10000x128xf32, #tpu.memory_space<hbm>>
      tpu.enqueue_indirect_dma source(%dma_start3A_85 : memref<10000x128xf32, #tpu.memory_space<hbm>>) target(%dma_start3A_79 : memref<32x128xf32, #tpu.memory_space<vmem>>) offsets(%dma_start3A_82 : memref<32xi32, #tpu.memory_space<vmem>>) semaphore(%arg13 : memref<!tpu.dma_semaphore, #tpu.memory_space<semaphore_mem>>)
      %dma_start3A_86 = arith.constant 1 : i32
      %dma_start3A_87 = arith.constant 64 : i32
      %dma_start3A_88 = arith.constant 0 : i32
      %dma_start3A_89 = tpu.memref_slice %arg10[%dma_start3A_87, %dma_start3A_88] : memref<128x128xf32, #tpu.memory_space<vmem>> -> memref<32x128xf32, #tpu.memory_space<vmem>>
      %dma_start3A_90 = arith.constant 64 : i32
      %dma_start3A_91 = tpu.memref_slice %arg7[%dma_start3A_86, %dma_start3A_90] : memref<40x128xi32, #tpu.memory_space<vmem>> -> memref<1x32xi32, #tpu.memory_space<vmem>>
      %dma_start3A_92 = tpu.memref_squeeze %dma_start3A_91 : memref<1x32xi32, #tpu.memory_space<vmem>> -> memref<32xi32, #tpu.memory_space<vmem>>
      %dma_start3A_93 = arith.constant 0 : i32
      %dma_start3A_94 = arith.constant 0 : i32
      %dma_start3A_95 = tpu.memref_slice %arg2[%dma_start3A_93, %dma_start3A_94] : memref<10000x128xf32, #tpu.memory_space<hbm>> -> memref<10000x128xf32, #tpu.memory_space<hbm>>
      tpu.enqueue_indirect_dma source(%dma_start3A_95 : memref<10000x128xf32, #tpu.memory_space<hbm>>) target(%dma_start3A_89 : memref<32x128xf32, #tpu.memory_space<vmem>>) offsets(%dma_start3A_92 : memref<32xi32, #tpu.memory_space<vmem>>) semaphore(%arg13 : memref<!tpu.dma_semaphore, #tpu.memory_space<semaphore_mem>>)
      %dma_start3A_96 = arith.constant 1 : i32
      %dma_start3A_97 = arith.constant 96 : i32
      %dma_start3A_98 = arith.constant 0 : i32
      %dma_start3A_99 = tpu.memref_slice %arg10[%dma_start3A_97, %dma_start3A_98] : memref<128x128xf32, #tpu.memory_space<vmem>> -> memref<32x128xf32, #tpu.memory_space<vmem>>
      %dma_start3A_100 = arith.constant 96 : i32
      %dma_start3A_101 = tpu.memref_slice %arg7[%dma_start3A_96, %dma_start3A_100] : memref<40x128xi32, #tpu.memory_space<vmem>> -> memref<1x32xi32, #tpu.memory_space<vmem>>
      %dma_start3A_102 = tpu.memref_squeeze %dma_start3A_101 : memref<1x32xi32, #tpu.memory_space<vmem>> -> memref<32xi32, #tpu.memory_space<vmem>>
      %dma_start3A_103 = arith.constant 0 : i32
      %dma_start3A_104 = arith.constant 0 : i32
      %dma_start3A_105 = tpu.memref_slice %arg2[%dma_start3A_103, %dma_start3A_104] : memref<10000x128xf32, #tpu.memory_space<hbm>> -> memref<10000x128xf32, #tpu.memory_space<hbm>>
      tpu.enqueue_indirect_dma source(%dma_start3A_105 : memref<10000x128xf32, #tpu.memory_space<hbm>>) target(%dma_start3A_99 : memref<32x128xf32, #tpu.memory_space<vmem>>) offsets(%dma_start3A_102 : memref<32xi32, #tpu.memory_space<vmem>>) semaphore(%arg13 : memref<!tpu.dma_semaphore, #tpu.memory_space<semaphore_mem>>)
      %scan3A_106 = arith.constant 0 : i32
      %scan3A_107 = arith.constant 19 : i32
      %scan3A_108 = arith.addi %scan3A_106, %scan3A_107 : i32
      %scan3A_109 = arith.constant 1 : i32
      scf.for %scan3A_125 = %scan3A_106 to %scan3A_108 step %scan3A_109  : i32 {
        %mul3A_126 = arith.constant 1 : i32
        %mul3A_127 = arith.muli %scan3A_125, %mul3A_126 : i32
        %add3A_128 = arith.constant 0 : i32
        %add3A_129 = arith.addi %add3A_128, %mul3A_127 : i32
        %mul3A_130 = arith.constant 2 : i32
        %mul3A_131 = arith.muli %add3A_129, %mul3A_130 : i32
        %dma_wait3A_132 = arith.constant 0 : i32
        %dma_wait3A_133 = tpu.memref_slice %arg8[%mul3A_131, %dma_wait3A_132] : memref<40x128xi32, #tpu.memory_space<vmem>> -> memref<1x128xi32, #tpu.memory_space<vmem>>
        %dma_wait3A_134 = tpu.memref_squeeze %dma_wait3A_133 : memref<1x128xi32, #tpu.memory_space<vmem>> -> memref<128xi32, #tpu.memory_space<vmem>>
        %dma_wait3A_135 = arith.constant 0 : i32
        %dma_wait3A_136 = arith.constant 0 : i32
        %dma_wait3A_137 = tpu.memref_slice %arg2[%dma_wait3A_135, %dma_wait3A_136] : memref<10000x128xf32, #tpu.memory_space<hbm>> -> memref<10000x128xf32, #tpu.memory_space<hbm>>
        tpu.wait_indirect_dma semaphore(%arg12 : memref<!tpu.dma_semaphore, #tpu.memory_space<semaphore_mem>>) src(%dma_wait3A_137 : memref<10000x128xf32, #tpu.memory_space<hbm>>) dst(%arg9 : memref<128x128xf32, #tpu.memory_space<vmem>>)
        "tpu.region"() ({
          %run_scoped3A_222 = tpu.sem_alloc : memref<!tpu.dma_semaphore, #tpu.memory_space<semaphore_mem>>
          %dma_start3A_223 = arith.constant 0 : i32
          %dma_start3A_224 = tpu.memref_slice %arg8[%mul3A_131, %dma_start3A_223] : memref<40x128xi32, #tpu.memory_space<vmem>> -> memref<1x128xi32, #tpu.memory_space<vmem>>
          %dma_start3A_225 = tpu.memref_squeeze %dma_start3A_224 : memref<1x128xi32, #tpu.memory_space<vmem>> -> memref<128xi32, #tpu.memory_space<vmem>>
          %dma_start3A_226 = arith.constant 0 : i32
          %dma_start3A_227 = arith.constant 0 : i32
          %dma_start3A_228 = tpu.memref_slice %arg11[%dma_start3A_226, %dma_start3A_227] : memref<10112x128xf32, #tpu.memory_space<vmem_shared>> -> memref<10112x128xf32, #tpu.memory_space<vmem_shared>>
          tpu.enqueue_indirect_dma source(%arg9 : memref<128x128xf32, #tpu.memory_space<vmem>>) target(%dma_start3A_228 : memref<10112x128xf32, #tpu.memory_space<vmem_shared>>) offsets(%dma_start3A_225 : memref<128xi32, #tpu.memory_space<vmem>>) semaphore(%run_scoped3A_222 : memref<!tpu.dma_semaphore, #tpu.memory_space<semaphore_mem>>) {add = true}
          %dma_wait3A_229 = arith.constant 0 : i32
          %dma_wait3A_230 = tpu.memref_slice %arg8[%mul3A_131, %dma_wait3A_229] : memref<40x128xi32, #tpu.memory_space<vmem>> -> memref<1x128xi32, #tpu.memory_space<vmem>>
          %dma_wait3A_231 = tpu.memref_squeeze %dma_wait3A_230 : memref<1x128xi32, #tpu.memory_space<vmem>> -> memref<128xi32, #tpu.memory_space<vmem>>
          %dma_wait3A_232 = arith.constant 0 : i32
          %dma_wait3A_233 = arith.constant 0 : i32
          %dma_wait3A_234 = tpu.memref_slice %arg11[%dma_wait3A_232, %dma_wait3A_233] : memref<10112x128xf32, #tpu.memory_space<vmem_shared>> -> memref<10112x128xf32, #tpu.memory_space<vmem_shared>>
          tpu.wait_indirect_dma semaphore(%run_scoped3A_222 : memref<!tpu.dma_semaphore, #tpu.memory_space<semaphore_mem>>) src(%arg9 : memref<128x128xf32, #tpu.memory_space<vmem>>) dst(%dma_wait3A_234 : memref<10112x128xf32, #tpu.memory_space<vmem_shared>>)
          tpu.yield
        }) : () -> ()
        %add3A_138 = arith.constant 2 : i32
        %add3A_139 = arith.addi %mul3A_131, %add3A_138 : i32
        %dma_start3A_140 = arith.constant 0 : i32
        %dma_start3A_141 = arith.constant 0 : i32
        %dma_start3A_142 = tpu.memref_slice %arg9[%dma_start3A_140, %dma_start3A_141] : memref<128x128xf32, #tpu.memory_space<vmem>> -> memref<32x128xf32, #tpu.memory_space<vmem>>
        %dma_start3A_143 = arith.constant 0 : i32
        %dma_start3A_144 = tpu.memref_slice %arg7[%add3A_139, %dma_start3A_143] : memref<40x128xi32, #tpu.memory_space<vmem>> -> memref<1x32xi32, #tpu.memory_space<vmem>>
        %dma_start3A_145 = tpu.memref_squeeze %dma_start3A_144 : memref<1x32xi32, #tpu.memory_space<vmem>> -> memref<32xi32, #tpu.memory_space<vmem>>
        %dma_start3A_146 = arith.constant 0 : i32
        %dma_start3A_147 = arith.constant 0 : i32
        %dma_start3A_148 = tpu.memref_slice %arg2[%dma_start3A_146, %dma_start3A_147] : memref<10000x128xf32, #tpu.memory_space<hbm>> -> memref<10000x128xf32, #tpu.memory_space<hbm>>
        tpu.enqueue_indirect_dma source(%dma_start3A_148 : memref<10000x128xf32, #tpu.memory_space<hbm>>) target(%dma_start3A_142 : memref<32x128xf32, #tpu.memory_space<vmem>>) offsets(%dma_start3A_145 : memref<32xi32, #tpu.memory_space<vmem>>) semaphore(%arg12 : memref<!tpu.dma_semaphore, #tpu.memory_space<semaphore_mem>>)
        %dma_start3A_149 = arith.constant 32 : i32
        %dma_start3A_150 = arith.constant 0 : i32
        %dma_start3A_151 = tpu.memref_slice %arg9[%dma_start3A_149, %dma_start3A_150] : memref<128x128xf32, #tpu.memory_space<vmem>> -> memref<32x128xf32, #tpu.memory_space<vmem>>
        %dma_start3A_152 = arith.constant 32 : i32
        %dma_start3A_153 = tpu.memref_slice %arg7[%add3A_139, %dma_start3A_152] : memref<40x128xi32, #tpu.memory_space<vmem>> -> memref<1x32xi32, #tpu.memory_space<vmem>>
        %dma_start3A_154 = tpu.memref_squeeze %dma_start3A_153 : memref<1x32xi32, #tpu.memory_space<vmem>> -> memref<32xi32, #tpu.memory_space<vmem>>
        %dma_start3A_155 = arith.constant 0 : i32
        %dma_start3A_156 = arith.constant 0 : i32
        %dma_start3A_157 = tpu.memref_slice %arg2[%dma_start3A_155, %dma_start3A_156] : memref<10000x128xf32, #tpu.memory_space<hbm>> -> memref<10000x128xf32, #tpu.memory_space<hbm>>
        tpu.enqueue_indirect_dma source(%dma_start3A_157 : memref<10000x128xf32, #tpu.memory_space<hbm>>) target(%dma_start3A_151 : memref<32x128xf32, #tpu.memory_space<vmem>>) offsets(%dma_start3A_154 : memref<32xi32, #tpu.memory_space<vmem>>) semaphore(%arg12 : memref<!tpu.dma_semaphore, #tpu.memory_space<semaphore_mem>>)
        %dma_start3A_158 = arith.constant 64 : i32
        %dma_start3A_159 = arith.constant 0 : i32
        %dma_start3A_160 = tpu.memref_slice %arg9[%dma_start3A_158, %dma_start3A_159] : memref<128x128xf32, #tpu.memory_space<vmem>> -> memref<32x128xf32, #tpu.memory_space<vmem>>
        %dma_start3A_161 = arith.constant 64 : i32
        %dma_start3A_162 = tpu.memref_slice %arg7[%add3A_139, %dma_start3A_161] : memref<40x128xi32, #tpu.memory_space<vmem>> -> memref<1x32xi32, #tpu.memory_space<vmem>>
        %dma_start3A_163 = tpu.memref_squeeze %dma_start3A_162 : memref<1x32xi32, #tpu.memory_space<vmem>> -> memref<32xi32, #tpu.memory_space<vmem>>
        %dma_start3A_164 = arith.constant 0 : i32
        %dma_start3A_165 = arith.constant 0 : i32
        %dma_start3A_166 = tpu.memref_slice %arg2[%dma_start3A_164, %dma_start3A_165] : memref<10000x128xf32, #tpu.memory_space<hbm>> -> memref<10000x128xf32, #tpu.memory_space<hbm>>
        tpu.enqueue_indirect_dma source(%dma_start3A_166 : memref<10000x128xf32, #tpu.memory_space<hbm>>) target(%dma_start3A_160 : memref<32x128xf32, #tpu.memory_space<vmem>>) offsets(%dma_start3A_163 : memref<32xi32, #tpu.memory_space<vmem>>) semaphore(%arg12 : memref<!tpu.dma_semaphore, #tpu.memory_space<semaphore_mem>>)
        %dma_start3A_167 = arith.constant 96 : i32
        %dma_start3A_168 = arith.constant 0 : i32
        %dma_start3A_169 = tpu.memref_slice %arg9[%dma_start3A_167, %dma_start3A_168] : memref<128x128xf32, #tpu.memory_space<vmem>> -> memref<32x128xf32, #tpu.memory_space<vmem>>
        %dma_start3A_170 = arith.constant 96 : i32
        %dma_start3A_171 = tpu.memref_slice %arg7[%add3A_139, %dma_start3A_170] : memref<40x128xi32, #tpu.memory_space<vmem>> -> memref<1x32xi32, #tpu.memory_space<vmem>>
        %dma_start3A_172 = tpu.memref_squeeze %dma_start3A_171 : memref<1x32xi32, #tpu.memory_space<vmem>> -> memref<32xi32, #tpu.memory_space<vmem>>
        %dma_start3A_173 = arith.constant 0 : i32
        %dma_start3A_174 = arith.constant 0 : i32
        %dma_start3A_175 = tpu.memref_slice %arg2[%dma_start3A_173, %dma_start3A_174] : memref<10000x128xf32, #tpu.memory_space<hbm>> -> memref<10000x128xf32, #tpu.memory_space<hbm>>
        tpu.enqueue_indirect_dma source(%dma_start3A_175 : memref<10000x128xf32, #tpu.memory_space<hbm>>) target(%dma_start3A_169 : memref<32x128xf32, #tpu.memory_space<vmem>>) offsets(%dma_start3A_172 : memref<32xi32, #tpu.memory_space<vmem>>) semaphore(%arg12 : memref<!tpu.dma_semaphore, #tpu.memory_space<semaphore_mem>>)
        %add3A_176 = arith.constant 1 : i32
        %add3A_177 = arith.addi %mul3A_131, %add3A_176 : i32
        %dma_wait3A_178 = arith.constant 0 : i32
        %dma_wait3A_179 = tpu.memref_slice %arg8[%add3A_177, %dma_wait3A_178] : memref<40x128xi32, #tpu.memory_space<vmem>> -> memref<1x128xi32, #tpu.memory_space<vmem>>
        %dma_wait3A_180 = tpu.memref_squeeze %dma_wait3A_179 : memref<1x128xi32, #tpu.memory_space<vmem>> -> memref<128xi32, #tpu.memory_space<vmem>>
        %dma_wait3A_181 = arith.constant 0 : i32
        %dma_wait3A_182 = arith.constant 0 : i32
        %dma_wait3A_183 = tpu.memref_slice %arg2[%dma_wait3A_181, %dma_wait3A_182] : memref<10000x128xf32, #tpu.memory_space<hbm>> -> memref<10000x128xf32, #tpu.memory_space<hbm>>
        tpu.wait_indirect_dma semaphore(%arg13 : memref<!tpu.dma_semaphore, #tpu.memory_space<semaphore_mem>>) src(%dma_wait3A_183 : memref<10000x128xf32, #tpu.memory_space<hbm>>) dst(%arg10 : memref<128x128xf32, #tpu.memory_space<vmem>>)
        "tpu.region"() ({
          %run_scoped3A_222 = tpu.sem_alloc : memref<!tpu.dma_semaphore, #tpu.memory_space<semaphore_mem>>
          %dma_start3A_223 = arith.constant 0 : i32
          %dma_start3A_224 = tpu.memref_slice %arg8[%add3A_177, %dma_start3A_223] : memref<40x128xi32, #tpu.memory_space<vmem>> -> memref<1x128xi32, #tpu.memory_space<vmem>>
          %dma_start3A_225 = tpu.memref_squeeze %dma_start3A_224 : memref<1x128xi32, #tpu.memory_space<vmem>> -> memref<128xi32, #tpu.memory_space<vmem>>
          %dma_start3A_226 = arith.constant 0 : i32
          %dma_start3A_227 = arith.constant 0 : i32
          %dma_start3A_228 = tpu.memref_slice %arg11[%dma_start3A_226, %dma_start3A_227] : memref<10112x128xf32, #tpu.memory_space<vmem_shared>> -> memref<10112x128xf32, #tpu.memory_space<vmem_shared>>
          tpu.enqueue_indirect_dma source(%arg10 : memref<128x128xf32, #tpu.memory_space<vmem>>) target(%dma_start3A_228 : memref<10112x128xf32, #tpu.memory_space<vmem_shared>>) offsets(%dma_start3A_225 : memref<128xi32, #tpu.memory_space<vmem>>) semaphore(%run_scoped3A_222 : memref<!tpu.dma_semaphore, #tpu.memory_space<semaphore_mem>>) {add = true}
          %dma_wait3A_229 = arith.constant 0 : i32
          %dma_wait3A_230 = tpu.memref_slice %arg8[%add3A_177, %dma_wait3A_229] : memref<40x128xi32, #tpu.memory_space<vmem>> -> memref<1x128xi32, #tpu.memory_space<vmem>>
          %dma_wait3A_231 = tpu.memref_squeeze %dma_wait3A_230 : memref<1x128xi32, #tpu.memory_space<vmem>> -> memref<128xi32, #tpu.memory_space<vmem>>
          %dma_wait3A_232 = arith.constant 0 : i32
          %dma_wait3A_233 = arith.constant 0 : i32
          %dma_wait3A_234 = tpu.memref_slice %arg11[%dma_wait3A_232, %dma_wait3A_233] : memref<10112x128xf32, #tpu.memory_space<vmem_shared>> -> memref<10112x128xf32, #tpu.memory_space<vmem_shared>>
          tpu.wait_indirect_dma semaphore(%run_scoped3A_222 : memref<!tpu.dma_semaphore, #tpu.memory_space<semaphore_mem>>) src(%arg10 : memref<128x128xf32, #tpu.memory_space<vmem>>) dst(%dma_wait3A_234 : memref<10112x128xf32, #tpu.memory_space<vmem_shared>>)
          tpu.yield
        }) : () -> ()
        %add3A_184 = arith.constant 3 : i32
        %add3A_185 = arith.addi %mul3A_131, %add3A_184 : i32
        %dma_start3A_186 = arith.constant 0 : i32
        %dma_start3A_187 = arith.constant 0 : i32
        %dma_start3A_188 = tpu.memref_slice %arg10[%dma_start3A_186, %dma_start3A_187] : memref<128x128xf32, #tpu.memory_space<vmem>> -> memref<32x128xf32, #tpu.memory_space<vmem>>
        %dma_start3A_189 = arith.constant 0 : i32
        %dma_start3A_190 = tpu.memref_slice %arg7[%add3A_185, %dma_start3A_189] : memref<40x128xi32, #tpu.memory_space<vmem>> -> memref<1x32xi32, #tpu.memory_space<vmem>>
        %dma_start3A_191 = tpu.memref_squeeze %dma_start3A_190 : memref<1x32xi32, #tpu.memory_space<vmem>> -> memref<32xi32, #tpu.memory_space<vmem>>
        %dma_start3A_192 = arith.constant 0 : i32
        %dma_start3A_193 = arith.constant 0 : i32
        %dma_start3A_194 = tpu.memref_slice %arg2[%dma_start3A_192, %dma_start3A_193] : memref<10000x128xf32, #tpu.memory_space<hbm>> -> memref<10000x128xf32, #tpu.memory_space<hbm>>
        tpu.enqueue_indirect_dma source(%dma_start3A_194 : memref<10000x128xf32, #tpu.memory_space<hbm>>) target(%dma_start3A_188 : memref<32x128xf32, #tpu.memory_space<vmem>>) offsets(%dma_start3A_191 : memref<32xi32, #tpu.memory_space<vmem>>) semaphore(%arg13 : memref<!tpu.dma_semaphore, #tpu.memory_space<semaphore_mem>>)
        %dma_start3A_195 = arith.constant 32 : i32
        %dma_start3A_196 = arith.constant 0 : i32
        %dma_start3A_197 = tpu.memref_slice %arg10[%dma_start3A_195, %dma_start3A_196] : memref<128x128xf32, #tpu.memory_space<vmem>> -> memref<32x128xf32, #tpu.memory_space<vmem>>
        %dma_start3A_198 = arith.constant 32 : i32
        %dma_start3A_199 = tpu.memref_slice %arg7[%add3A_185, %dma_start3A_198] : memref<40x128xi32, #tpu.memory_space<vmem>> -> memref<1x32xi32, #tpu.memory_space<vmem>>
        %dma_start3A_200 = tpu.memref_squeeze %dma_start3A_199 : memref<1x32xi32, #tpu.memory_space<vmem>> -> memref<32xi32, #tpu.memory_space<vmem>>
        %dma_start3A_201 = arith.constant 0 : i32
        %dma_start3A_202 = arith.constant 0 : i32
        %dma_start3A_203 = tpu.memref_slice %arg2[%dma_start3A_201, %dma_start3A_202] : memref<10000x128xf32, #tpu.memory_space<hbm>> -> memref<10000x128xf32, #tpu.memory_space<hbm>>
        tpu.enqueue_indirect_dma source(%dma_start3A_203 : memref<10000x128xf32, #tpu.memory_space<hbm>>) target(%dma_start3A_197 : memref<32x128xf32, #tpu.memory_space<vmem>>) offsets(%dma_start3A_200 : memref<32xi32, #tpu.memory_space<vmem>>) semaphore(%arg13 : memref<!tpu.dma_semaphore, #tpu.memory_space<semaphore_mem>>)
        %dma_start3A_204 = arith.constant 64 : i32
        %dma_start3A_205 = arith.constant 0 : i32
        %dma_start3A_206 = tpu.memref_slice %arg10[%dma_start3A_204, %dma_start3A_205] : memref<128x128xf32, #tpu.memory_space<vmem>> -> memref<32x128xf32, #tpu.memory_space<vmem>>
        %dma_start3A_207 = arith.constant 64 : i32
        %dma_start3A_208 = tpu.memref_slice %arg7[%add3A_185, %dma_start3A_207] : memref<40x128xi32, #tpu.memory_space<vmem>> -> memref<1x32xi32, #tpu.memory_space<vmem>>
        %dma_start3A_209 = tpu.memref_squeeze %dma_start3A_208 : memref<1x32xi32, #tpu.memory_space<vmem>> -> memref<32xi32, #tpu.memory_space<vmem>>
        %dma_start3A_210 = arith.constant 0 : i32
        %dma_start3A_211 = arith.constant 0 : i32
        %dma_start3A_212 = tpu.memref_slice %arg2[%dma_start3A_210, %dma_start3A_211] : memref<10000x128xf32, #tpu.memory_space<hbm>> -> memref<10000x128xf32, #tpu.memory_space<hbm>>
        tpu.enqueue_indirect_dma source(%dma_start3A_212 : memref<10000x128xf32, #tpu.memory_space<hbm>>) target(%dma_start3A_206 : memref<32x128xf32, #tpu.memory_space<vmem>>) offsets(%dma_start3A_209 : memref<32xi32, #tpu.memory_space<vmem>>) semaphore(%arg13 : memref<!tpu.dma_semaphore, #tpu.memory_space<semaphore_mem>>)
        %dma_start3A_213 = arith.constant 96 : i32
        %dma_start3A_214 = arith.constant 0 : i32
        %dma_start3A_215 = tpu.memref_slice %arg10[%dma_start3A_213, %dma_start3A_214] : memref<128x128xf32, #tpu.memory_space<vmem>> -> memref<32x128xf32, #tpu.memory_space<vmem>>
        %dma_start3A_216 = arith.constant 96 : i32
        %dma_start3A_217 = tpu.memref_slice %arg7[%add3A_185, %dma_start3A_216] : memref<40x128xi32, #tpu.memory_space<vmem>> -> memref<1x32xi32, #tpu.memory_space<vmem>>
        %dma_start3A_218 = tpu.memref_squeeze %dma_start3A_217 : memref<1x32xi32, #tpu.memory_space<vmem>> -> memref<32xi32, #tpu.memory_space<vmem>>
        %dma_start3A_219 = arith.constant 0 : i32
        %dma_start3A_220 = arith.constant 0 : i32
        %dma_start3A_221 = tpu.memref_slice %arg2[%dma_start3A_219, %dma_start3A_220] : memref<10000x128xf32, #tpu.memory_space<hbm>> -> memref<10000x128xf32, #tpu.memory_space<hbm>>
        tpu.enqueue_indirect_dma source(%dma_start3A_221 : memref<10000x128xf32, #tpu.memory_space<hbm>>) target(%dma_start3A_215 : memref<32x128xf32, #tpu.memory_space<vmem>>) offsets(%dma_start3A_218 : memref<32xi32, #tpu.memory_space<vmem>>) semaphore(%arg13 : memref<!tpu.dma_semaphore, #tpu.memory_space<semaphore_mem>>)
      }
      %scan3A_110 = arith.constant 19 : i32
      %dma_wait3A = arith.constant 38 : i32
      %dma_wait3A_111 = arith.constant 0 : i32
      %dma_wait3A_112 = tpu.memref_slice %arg8[%dma_wait3A, %dma_wait3A_111] : memref<40x128xi32, #tpu.memory_space<vmem>> -> memref<1x128xi32, #tpu.memory_space<vmem>>
      %dma_wait3A_113 = tpu.memref_squeeze %dma_wait3A_112 : memref<1x128xi32, #tpu.memory_space<vmem>> -> memref<128xi32, #tpu.memory_space<vmem>>
      %dma_wait3A_114 = arith.constant 0 : i32
      %dma_wait3A_115 = arith.constant 0 : i32
      %dma_wait3A_116 = tpu.memref_slice %arg2[%dma_wait3A_114, %dma_wait3A_115] : memref<10000x128xf32, #tpu.memory_space<hbm>> -> memref<10000x128xf32, #tpu.memory_space<hbm>>
      tpu.wait_indirect_dma semaphore(%arg12 : memref<!tpu.dma_semaphore, #tpu.memory_space<semaphore_mem>>) src(%dma_wait3A_116 : memref<10000x128xf32, #tpu.memory_space<hbm>>) dst(%arg9 : memref<128x128xf32, #tpu.memory_space<vmem>>)
      %run_scoped3A = arith.constant 38 : i32
      "tpu.region"() ({
        %run_scoped3A_125 = tpu.sem_alloc : memref<!tpu.dma_semaphore, #tpu.memory_space<semaphore_mem>>
        %dma_start3A_126 = arith.constant 0 : i32
        %dma_start3A_127 = tpu.memref_slice %arg8[%run_scoped3A, %dma_start3A_126] : memref<40x128xi32, #tpu.memory_space<vmem>> -> memref<1x128xi32, #tpu.memory_space<vmem>>
        %dma_start3A_128 = tpu.memref_squeeze %dma_start3A_127 : memref<1x128xi32, #tpu.memory_space<vmem>> -> memref<128xi32, #tpu.memory_space<vmem>>
        %dma_start3A_129 = arith.constant 0 : i32
        %dma_start3A_130 = arith.constant 0 : i32
        %dma_start3A_131 = tpu.memref_slice %arg11[%dma_start3A_129, %dma_start3A_130] : memref<10112x128xf32, #tpu.memory_space<vmem_shared>> -> memref<10112x128xf32, #tpu.memory_space<vmem_shared>>
        tpu.enqueue_indirect_dma source(%arg9 : memref<128x128xf32, #tpu.memory_space<vmem>>) target(%dma_start3A_131 : memref<10112x128xf32, #tpu.memory_space<vmem_shared>>) offsets(%dma_start3A_128 : memref<128xi32, #tpu.memory_space<vmem>>) semaphore(%run_scoped3A_125 : memref<!tpu.dma_semaphore, #tpu.memory_space<semaphore_mem>>) {add = true}
        %dma_wait3A_132 = arith.constant 0 : i32
        %dma_wait3A_133 = tpu.memref_slice %arg8[%run_scoped3A, %dma_wait3A_132] : memref<40x128xi32, #tpu.memory_space<vmem>> -> memref<1x128xi32, #tpu.memory_space<vmem>>
        %dma_wait3A_134 = tpu.memref_squeeze %dma_wait3A_133 : memref<1x128xi32, #tpu.memory_space<vmem>> -> memref<128xi32, #tpu.memory_space<vmem>>
        %dma_wait3A_135 = arith.constant 0 : i32
        %dma_wait3A_136 = arith.constant 0 : i32
        %dma_wait3A_137 = tpu.memref_slice %arg11[%dma_wait3A_135, %dma_wait3A_136] : memref<10112x128xf32, #tpu.memory_space<vmem_shared>> -> memref<10112x128xf32, #tpu.memory_space<vmem_shared>>
        tpu.wait_indirect_dma semaphore(%run_scoped3A_125 : memref<!tpu.dma_semaphore, #tpu.memory_space<semaphore_mem>>) src(%arg9 : memref<128x128xf32, #tpu.memory_space<vmem>>) dst(%dma_wait3A_137 : memref<10112x128xf32, #tpu.memory_space<vmem_shared>>)
        tpu.yield
      }) : () -> ()
      %dma_wait3A_117 = arith.constant 39 : i32
      %dma_wait3A_118 = arith.constant 0 : i32
      %dma_wait3A_119 = tpu.memref_slice %arg8[%dma_wait3A_117, %dma_wait3A_118] : memref<40x128xi32, #tpu.memory_space<vmem>> -> memref<1x128xi32, #tpu.memory_space<vmem>>
      %dma_wait3A_120 = tpu.memref_squeeze %dma_wait3A_119 : memref<1x128xi32, #tpu.memory_space<vmem>> -> memref<128xi32, #tpu.memory_space<vmem>>
      %dma_wait3A_121 = arith.constant 0 : i32
      %dma_wait3A_122 = arith.constant 0 : i32
      %dma_wait3A_123 = tpu.memref_slice %arg2[%dma_wait3A_121, %dma_wait3A_122] : memref<10000x128xf32, #tpu.memory_space<hbm>> -> memref<10000x128xf32, #tpu.memory_space<hbm>>
      tpu.wait_indirect_dma semaphore(%arg13 : memref<!tpu.dma_semaphore, #tpu.memory_space<semaphore_mem>>) src(%dma_wait3A_123 : memref<10000x128xf32, #tpu.memory_space<hbm>>) dst(%arg10 : memref<128x128xf32, #tpu.memory_space<vmem>>)
      %run_scoped3A_124 = arith.constant 39 : i32
      "tpu.region"() ({
        %run_scoped3A_125 = tpu.sem_alloc : memref<!tpu.dma_semaphore, #tpu.memory_space<semaphore_mem>>
        %dma_start3A_126 = arith.constant 0 : i32
        %dma_start3A_127 = tpu.memref_slice %arg8[%run_scoped3A_124, %dma_start3A_126] : memref<40x128xi32, #tpu.memory_space<vmem>> -> memref<1x128xi32, #tpu.memory_space<vmem>>
        %dma_start3A_128 = tpu.memref_squeeze %dma_start3A_127 : memref<1x128xi32, #tpu.memory_space<vmem>> -> memref<128xi32, #tpu.memory_space<vmem>>
        %dma_start3A_129 = arith.constant 0 : i32
        %dma_start3A_130 = arith.constant 0 : i32
        %dma_start3A_131 = tpu.memref_slice %arg11[%dma_start3A_129, %dma_start3A_130] : memref<10112x128xf32, #tpu.memory_space<vmem_shared>> -> memref<10112x128xf32, #tpu.memory_space<vmem_shared>>
        tpu.enqueue_indirect_dma source(%arg10 : memref<128x128xf32, #tpu.memory_space<vmem>>) target(%dma_start3A_131 : memref<10112x128xf32, #tpu.memory_space<vmem_shared>>) offsets(%dma_start3A_128 : memref<128xi32, #tpu.memory_space<vmem>>) semaphore(%run_scoped3A_125 : memref<!tpu.dma_semaphore, #tpu.memory_space<semaphore_mem>>) {add = true}
        %dma_wait3A_132 = arith.constant 0 : i32
        %dma_wait3A_133 = tpu.memref_slice %arg8[%run_scoped3A_124, %dma_wait3A_132] : memref<40x128xi32, #tpu.memory_space<vmem>> -> memref<1x128xi32, #tpu.memory_space<vmem>>
        %dma_wait3A_134 = tpu.memref_squeeze %dma_wait3A_133 : memref<1x128xi32, #tpu.memory_space<vmem>> -> memref<128xi32, #tpu.memory_space<vmem>>
        %dma_wait3A_135 = arith.constant 0 : i32
        %dma_wait3A_136 = arith.constant 0 : i32
        %dma_wait3A_137 = tpu.memref_slice %arg11[%dma_wait3A_135, %dma_wait3A_136] : memref<10112x128xf32, #tpu.memory_space<vmem_shared>> -> memref<10112x128xf32, #tpu.memory_space<vmem_shared>>
        tpu.wait_indirect_dma semaphore(%run_scoped3A_125 : memref<!tpu.dma_semaphore, #tpu.memory_space<semaphore_mem>>) src(%arg10 : memref<128x128xf32, #tpu.memory_space<vmem>>) dst(%dma_wait3A_137 : memref<10112x128xf32, #tpu.memory_space<vmem_shared>>)
        tpu.yield
      }) : () -> ()
    }
    %scan3A_8 = arith.constant 2 : i32
    %barrier3A_9 = arith.constant 0 : index
    tpu.barrier barrier_id(%barrier3A_9)
    %mul3A_10 = arith.constant 632 : i32
    %mul3A_11 = arith.muli %arg1, %mul3A_10 : i32
    %mul3A_12 = arith.constant 10112 : i32
    %mul3A_13 = arith.muli %arg0, %mul3A_12 : i32
    %mul3A_14 = arith.constant 632 : i32
    %mul3A_15 = arith.muli %arg1, %mul3A_14 : i32
    %add3A_16 = arith.addi %mul3A_13, %mul3A_15 : i32
    "tpu.region"() ({
      %run_scoped3A = tpu.sem_alloc : memref<!tpu.dma_semaphore, #tpu.memory_space<semaphore_mem>>
      %dma_start3A = arith.constant 0 : i32
      %dma_start3A_17 = tpu.memref_slice %arg6[%add3A_16, %dma_start3A] : memref<20224x128xf32, #tpu.memory_space<hbm>> -> memref<632x128xf32, #tpu.memory_space<hbm>>
      %dma_start3A_18 = arith.constant 0 : i32
      %dma_start3A_19 = tpu.memref_slice %arg11[%mul3A_11, %dma_start3A_18] : memref<10112x128xf32, #tpu.memory_space<vmem_shared>> -> memref<632x128xf32, #tpu.memory_space<vmem_shared>>
      tpu.enqueue_dma source(%dma_start3A_19 : memref<632x128xf32, #tpu.memory_space<vmem_shared>>) target(%dma_start3A_17 : memref<632x128xf32, #tpu.memory_space<hbm>>) target_semaphore(%run_scoped3A : memref<!tpu.dma_semaphore, #tpu.memory_space<semaphore_mem>>)
      %dma_wait3A = arith.constant 0 : i32
      %dma_wait3A_20 = tpu.memref_slice %arg6[%add3A_16, %dma_wait3A] : memref<20224x128xf32, #tpu.memory_space<hbm>> -> memref<632x128xf32, #tpu.memory_space<hbm>>
      %dma_wait3A_21 = arith.constant 0 : i32
      %dma_wait3A_22 = tpu.memref_slice %arg11[%mul3A_11, %dma_wait3A_21] : memref<10112x128xf32, #tpu.memory_space<vmem_shared>> -> memref<632x128xf32, #tpu.memory_space<vmem_shared>>
      tpu.wait_dma2 semaphore(%run_scoped3A : memref<!tpu.dma_semaphore, #tpu.memory_space<semaphore_mem>>) src(%dma_wait3A_22 : memref<632x128xf32, #tpu.memory_space<vmem_shared>>) dst(%dma_wait3A_20 : memref<632x128xf32, #tpu.memory_space<hbm>>)
      tpu.yield
    }) : () -> ()
    return
  }
}

#map = affine_map<(d0, d1) -> (0, 0)>
module attributes {stable_mosaic.version = 14 : i64} {
  func.func @run(%arg0: i32, %arg1: i32, %arg2: memref<10000x128xf32, #tpu.memory_space<hbm>>, %arg3: memref<2560x128xi32, #tpu.memory_space<hbm>>, %arg4: memref<2560x128xi32, #tpu.memory_space<hbm>>, %arg5: memref<10112x128xf32, #tpu.memory_space<hbm>>, %arg6: memref<20224x128xf32, #tpu.memory_space<hbm>>, %arg7: memref<40x128xi32, #tpu.memory_space<vmem>>, %arg8: memref<40x128xi32, #tpu.memory_space<vmem>>, %arg9: memref<128x128xf32, #tpu.memory_space<vmem>>, %arg10: memref<128x128xf32, #tpu.memory_space<vmem>>, %arg11: memref<10112x128xf32, #tpu.memory_space<vmem_shared>>, %arg12: memref<!tpu.dma_semaphore, #tpu.memory_space<semaphore_mem>>, %arg13: memref<!tpu.dma_semaphore, #tpu.memory_space<semaphore_mem>>) attributes {dimension_semantics = [#tpu.dimension_semantics<core_parallel>, #tpu.dimension_semantics<subcore_parallel>], iteration_bounds = array<i64: 2, 16>, scalar_prefetch = 0 : i64, scratch_operands = 7 : i64, tpu.core_type = #tpu.core_type<sc_vector_subcore>, window_params = [{transform_indices = #map}, {transform_indices = #map}, {transform_indices = #map}, {transform_indices = #map}, {transform_indices = #map}]} {
    %mul3A = arith.constant 2 : i32
    %mul3A_0 = arith.muli %arg1, %mul3A : i32
    %add3A = arith.addi %mul3A_0, %arg0 : i32
    %mul3A_1 = arith.constant 632 : i32
    %mul3A_2 = arith.muli %arg1, %mul3A_1 : i32
    %mul3A_3 = arith.constant 632 : i32
    %mul3A_4 = arith.muli %arg1, %mul3A_3 : i32
    "tpu.region"() ({
      %run_scoped3A = tpu.sem_alloc : memref<!tpu.dma_semaphore, #tpu.memory_space<semaphore_mem>>
      %dma_start3A = arith.constant 0 : i32
      %dma_start3A_17 = tpu.memref_slice %arg11[%mul3A_4, %dma_start3A] : memref<10112x128xf32, #tpu.memory_space<vmem_shared>> -> memref<632x128xf32, #tpu.memory_space<vmem_shared>>
      %dma_start3A_18 = arith.constant 0 : i32
      %dma_start3A_19 = tpu.memref_slice %arg5[%mul3A_2, %dma_start3A_18] : memref<10112x128xf32, #tpu.memory_space<hbm>> -> memref<632x128xf32, #tpu.memory_space<hbm>>
      tpu.enqueue_dma source(%dma_start3A_19 : memref<632x128xf32, #tpu.memory_space<hbm>>) target(%dma_start3A_17 : memref<632x128xf32, #tpu.memory_space<vmem_shared>>) target_semaphore(%run_scoped3A : memref<!tpu.dma_semaphore, #tpu.memory_space<semaphore_mem>>)
      %dma_wait3A = arith.constant 0 : i32
      %dma_wait3A_20 = tpu.memref_slice %arg11[%mul3A_4, %dma_wait3A] : memref<10112x128xf32, #tpu.memory_space<vmem_shared>> -> memref<632x128xf32, #tpu.memory_space<vmem_shared>>
      %dma_wait3A_21 = arith.constant 0 : i32
      %dma_wait3A_22 = tpu.memref_slice %arg5[%mul3A_2, %dma_wait3A_21] : memref<10112x128xf32, #tpu.memory_space<hbm>> -> memref<632x128xf32, #tpu.memory_space<hbm>>
      tpu.wait_dma2 semaphore(%run_scoped3A : memref<!tpu.dma_semaphore, #tpu.memory_space<semaphore_mem>>) src(%dma_wait3A_22 : memref<632x128xf32, #tpu.memory_space<hbm>>) dst(%dma_wait3A_20 : memref<632x128xf32, #tpu.memory_space<vmem_shared>>)
      tpu.yield
    }) : () -> ()
    %barrier3A = arith.constant 0 : index
    tpu.barrier barrier_id(%barrier3A)
    %scan3A = arith.constant 0 : i32
    %scan3A_5 = arith.constant 2 : i32
    %scan3A_6 = arith.addi %scan3A, %scan3A_5 : i32
    %scan3A_7 = arith.constant 1 : i32
    scf.for %scan3A_17 = %scan3A to %scan3A_6 step %scan3A_7  : i32 {
      %mul3A_18 = arith.constant 1 : i32
      %mul3A_19 = arith.muli %scan3A_17, %mul3A_18 : i32
      %add3A_20 = arith.constant 0 : i32
      %add3A_21 = arith.addi %add3A_20, %mul3A_19 : i32
      %mul3A_22 = arith.constant 80 : i32
      %mul3A_23 = arith.muli %add3A, %mul3A_22 : i32
      %mul3A_24 = arith.constant 40 : i32
      %mul3A_25 = arith.muli %add3A_21, %mul3A_24 : i32
      %add3A_26 = arith.addi %mul3A_23, %mul3A_25 : i32
      "tpu.region"() ({
        %run_scoped3A_125 = tpu.sem_alloc : memref<!tpu.dma_semaphore, #tpu.memory_space<semaphore_mem>>
        %dma_start3A_126 = arith.constant 0 : i32
        %dma_start3A_127 = tpu.memref_slice %arg3[%add3A_26, %dma_start3A_126] : memref<2560x128xi32, #tpu.memory_space<hbm>> -> memref<40x128xi32, #tpu.memory_space<hbm>>
        %dma_start3A_128 = arith.constant 0 : i32
        %dma_start3A_129 = tpu.memref_slice %arg3[%add3A_26, %dma_start3A_128] : memref<2560x128xi32, #tpu.memory_space<hbm>> -> memref<40x128xi32, #tpu.memory_space<hbm>>
        tpu.enqueue_dma source(%dma_start3A_129 : memref<40x128xi32, #tpu.memory_space<hbm>>) target(%arg7 : memref<40x128xi32, #tpu.memory_space<vmem>>) target_semaphore(%run_scoped3A_125 : memref<!tpu.dma_semaphore, #tpu.memory_space<semaphore_mem>>)
        %dma_wait3A_130 = arith.constant 0 : i32
        %dma_wait3A_131 = tpu.memref_slice %arg3[%add3A_26, %dma_wait3A_130] : memref<2560x128xi32, #tpu.memory_space<hbm>> -> memref<40x128xi32, #tpu.memory_space<hbm>>
        %dma_wait3A_132 = arith.constant 0 : i32
        %dma_wait3A_133 = tpu.memref_slice %arg3[%add3A_26, %dma_wait3A_132] : memref<2560x128xi32, #tpu.memory_space<hbm>> -> memref<40x128xi32, #tpu.memory_space<hbm>>
        tpu.wait_dma2 semaphore(%run_scoped3A_125 : memref<!tpu.dma_semaphore, #tpu.memory_space<semaphore_mem>>) src(%dma_wait3A_133 : memref<40x128xi32, #tpu.memory_space<hbm>>) dst(%arg7 : memref<40x128xi32, #tpu.memory_space<vmem>>)
        tpu.yield
      }) : () -> ()
      "tpu.region"() ({
        %run_scoped3A_125 = tpu.sem_alloc : memref<!tpu.dma_semaphore, #tpu.memory_space<semaphore_mem>>
        %dma_start3A_126 = arith.constant 0 : i32
        %dma_start3A_127 = tpu.memref_slice %arg4[%add3A_26, %dma_start3A_126] : memref<2560x128xi32, #tpu.memory_space<hbm>> -> memref<40x128xi32, #tpu.memory_space<hbm>>
        %dma_start3A_128 = arith.constant 0 : i32
        %dma_start3A_129 = tpu.memref_slice %arg4[%add3A_26, %dma_start3A_128] : memref<2560x128xi32, #tpu.memory_space<hbm>> -> memref<40x128xi32, #tpu.memory_space<hbm>>
        tpu.enqueue_dma source(%dma_start3A_129 : memref<40x128xi32, #tpu.memory_space<hbm>>) target(%arg8 : memref<40x128xi32, #tpu.memory_space<vmem>>) target_semaphore(%run_scoped3A_125 : memref<!tpu.dma_semaphore, #tpu.memory_space<semaphore_mem>>)
        %dma_wait3A_130 = arith.constant 0 : i32
        %dma_wait3A_131 = tpu.memref_slice %arg4[%add3A_26, %dma_wait3A_130] : memref<2560x128xi32, #tpu.memory_space<hbm>> -> memref<40x128xi32, #tpu.memory_space<hbm>>
        %dma_wait3A_132 = arith.constant 0 : i32
        %dma_wait3A_133 = tpu.memref_slice %arg4[%add3A_26, %dma_wait3A_132] : memref<2560x128xi32, #tpu.memory_space<hbm>> -> memref<40x128xi32, #tpu.memory_space<hbm>>
        tpu.wait_dma2 semaphore(%run_scoped3A_125 : memref<!tpu.dma_semaphore, #tpu.memory_space<semaphore_mem>>) src(%dma_wait3A_133 : memref<40x128xi32, #tpu.memory_space<hbm>>) dst(%arg8 : memref<40x128xi32, #tpu.memory_space<vmem>>)
        tpu.yield
      }) : () -> ()
      %dma_start3A = arith.constant 0 : i32
      %dma_start3A_27 = arith.constant 0 : i32
      %dma_start3A_28 = arith.constant 0 : i32
      %dma_start3A_29 = tpu.memref_slice %arg9[%dma_start3A_27, %dma_start3A_28] : memref<128x128xf32, #tpu.memory_space<vmem>> -> memref<32x128xf32, #tpu.memory_space<vmem>>
      %dma_start3A_30 = arith.constant 0 : i32
      %dma_start3A_31 = tpu.memref_slice %arg7[%dma_start3A, %dma_start3A_30] : memref<40x128xi32, #tpu.memory_space<vmem>> -> memref<1x32xi32, #tpu.memory_space<vmem>>
      %dma_start3A_32 = tpu.memref_squeeze %dma_start3A_31 : memref<1x32xi32, #tpu.memory_space<vmem>> -> memref<32xi32, #tpu.memory_space<vmem>>
      %dma_start3A_33 = arith.constant 0 : i32
      %dma_start3A_34 = arith.constant 0 : i32
      %dma_start3A_35 = tpu.memref_slice %arg2[%dma_start3A_33, %dma_start3A_34] : memref<10000x128xf32, #tpu.memory_space<hbm>> -> memref<10000x128xf32, #tpu.memory_space<hbm>>
      tpu.enqueue_indirect_dma source(%dma_start3A_35 : memref<10000x128xf32, #tpu.memory_space<hbm>>) target(%dma_start3A_29 : memref<32x128xf32, #tpu.memory_space<vmem>>) offsets(%dma_start3A_32 : memref<32xi32, #tpu.memory_space<vmem>>) semaphore(%arg12 : memref<!tpu.dma_semaphore, #tpu.memory_space<semaphore_mem>>)
      %dma_start3A_36 = arith.constant 0 : i32
      %dma_start3A_37 = arith.constant 32 : i32
      %dma_start3A_38 = arith.constant 0 : i32
      %dma_start3A_39 = tpu.memref_slice %arg9[%dma_start3A_37, %dma_start3A_38] : memref<128x128xf32, #tpu.memory_space<vmem>> -> memref<32x128xf32, #tpu.memory_space<vmem>>
      %dma_start3A_40 = arith.constant 32 : i32
      %dma_start3A_41 = tpu.memref_slice %arg7[%dma_start3A_36, %dma_start3A_40] : memref<40x128xi32, #tpu.memory_space<vmem>> -> memref<1x32xi32, #tpu.memory_space<vmem>>
      %dma_start3A_42 = tpu.memref_squeeze %dma_start3A_41 : memref<1x32xi32, #tpu.memory_space<vmem>> -> memref<32xi32, #tpu.memory_space<vmem>>
      %dma_start3A_43 = arith.constant 0 : i32
      %dma_start3A_44 = arith.constant 0 : i32
      %dma_start3A_45 = tpu.memref_slice %arg2[%dma_start3A_43, %dma_start3A_44] : memref<10000x128xf32, #tpu.memory_space<hbm>> -> memref<10000x128xf32, #tpu.memory_space<hbm>>
      tpu.enqueue_indirect_dma source(%dma_start3A_45 : memref<10000x128xf32, #tpu.memory_space<hbm>>) target(%dma_start3A_39 : memref<32x128xf32, #tpu.memory_space<vmem>>) offsets(%dma_start3A_42 : memref<32xi32, #tpu.memory_space<vmem>>) semaphore(%arg12 : memref<!tpu.dma_semaphore, #tpu.memory_space<semaphore_mem>>)
      %dma_start3A_46 = arith.constant 0 : i32
      %dma_start3A_47 = arith.constant 64 : i32
      %dma_start3A_48 = arith.constant 0 : i32
      %dma_start3A_49 = tpu.memref_slice %arg9[%dma_start3A_47, %dma_start3A_48] : memref<128x128xf32, #tpu.memory_space<vmem>> -> memref<32x128xf32, #tpu.memory_space<vmem>>
      %dma_start3A_50 = arith.constant 64 : i32
      %dma_start3A_51 = tpu.memref_slice %arg7[%dma_start3A_46, %dma_start3A_50] : memref<40x128xi32, #tpu.memory_space<vmem>> -> memref<1x32xi32, #tpu.memory_space<vmem>>
      %dma_start3A_52 = tpu.memref_squeeze %dma_start3A_51 : memref<1x32xi32, #tpu.memory_space<vmem>> -> memref<32xi32, #tpu.memory_space<vmem>>
      %dma_start3A_53 = arith.constant 0 : i32
      %dma_start3A_54 = arith.constant 0 : i32
      %dma_start3A_55 = tpu.memref_slice %arg2[%dma_start3A_53, %dma_start3A_54] : memref<10000x128xf32, #tpu.memory_space<hbm>> -> memref<10000x128xf32, #tpu.memory_space<hbm>>
      tpu.enqueue_indirect_dma source(%dma_start3A_55 : memref<10000x128xf32, #tpu.memory_space<hbm>>) target(%dma_start3A_49 : memref<32x128xf32, #tpu.memory_space<vmem>>) offsets(%dma_start3A_52 : memref<32xi32, #tpu.memory_space<vmem>>) semaphore(%arg12 : memref<!tpu.dma_semaphore, #tpu.memory_space<semaphore_mem>>)
      %dma_start3A_56 = arith.constant 0 : i32
      %dma_start3A_57 = arith.constant 96 : i32
      %dma_start3A_58 = arith.constant 0 : i32
      %dma_start3A_59 = tpu.memref_slice %arg9[%dma_start3A_57, %dma_start3A_58] : memref<128x128xf32, #tpu.memory_space<vmem>> -> memref<32x128xf32, #tpu.memory_space<vmem>>
      %dma_start3A_60 = arith.constant 96 : i32
      %dma_start3A_61 = tpu.memref_slice %arg7[%dma_start3A_56, %dma_start3A_60] : memref<40x128xi32, #tpu.memory_space<vmem>> -> memref<1x32xi32, #tpu.memory_space<vmem>>
      %dma_start3A_62 = tpu.memref_squeeze %dma_start3A_61 : memref<1x32xi32, #tpu.memory_space<vmem>> -> memref<32xi32, #tpu.memory_space<vmem>>
      %dma_start3A_63 = arith.constant 0 : i32
      %dma_start3A_64 = arith.constant 0 : i32
      %dma_start3A_65 = tpu.memref_slice %arg2[%dma_start3A_63, %dma_start3A_64] : memref<10000x128xf32, #tpu.memory_space<hbm>> -> memref<10000x128xf32, #tpu.memory_space<hbm>>
      tpu.enqueue_indirect_dma source(%dma_start3A_65 : memref<10000x128xf32, #tpu.memory_space<hbm>>) target(%dma_start3A_59 : memref<32x128xf32, #tpu.memory_space<vmem>>) offsets(%dma_start3A_62 : memref<32xi32, #tpu.memory_space<vmem>>) semaphore(%arg12 : memref<!tpu.dma_semaphore, #tpu.memory_space<semaphore_mem>>)
      %dma_start3A_66 = arith.constant 1 : i32
      %dma_start3A_67 = arith.constant 0 : i32
      %dma_start3A_68 = arith.constant 0 : i32
      %dma_start3A_69 = tpu.memref_slice %arg10[%dma_start3A_67, %dma_start3A_68] : memref<128x128xf32, #tpu.memory_space<vmem>> -> memref<32x128xf32, #tpu.memory_space<vmem>>
      %dma_start3A_70 = arith.constant 0 : i32
      %dma_start3A_71 = tpu.memref_slice %arg7[%dma_start3A_66, %dma_start3A_70] : memref<40x128xi32, #tpu.memory_space<vmem>> -> memref<1x32xi32, #tpu.memory_space<vmem>>
      %dma_start3A_72 = tpu.memref_squeeze %dma_start3A_71 : memref<1x32xi32, #tpu.memory_space<vmem>> -> memref<32xi32, #tpu.memory_space<vmem>>
      %dma_start3A_73 = arith.constant 0 : i32
      %dma_start3A_74 = arith.constant 0 : i32
      %dma_start3A_75 = tpu.memref_slice %arg2[%dma_start3A_73, %dma_start3A_74] : memref<10000x128xf32, #tpu.memory_space<hbm>> -> memref<10000x128xf32, #tpu.memory_space<hbm>>
      tpu.enqueue_indirect_dma source(%dma_start3A_75 : memref<10000x128xf32, #tpu.memory_space<hbm>>) target(%dma_start3A_69 : memref<32x128xf32, #tpu.memory_space<vmem>>) offsets(%dma_start3A_72 : memref<32xi32, #tpu.memory_space<vmem>>) semaphore(%arg13 : memref<!tpu.dma_semaphore, #tpu.memory_space<semaphore_mem>>)
      %dma_start3A_76 = arith.constant 1 : i32
      %dma_start3A_77 = arith.constant 32 : i32
      %dma_start3A_78 = arith.constant 0 : i32
      %dma_start3A_79 = tpu.memref_slice %arg10[%dma_start3A_77, %dma_start3A_78] : memref<128x128xf32, #tpu.memory_space<vmem>> -> memref<32x128xf32, #tpu.memory_space<vmem>>
      %dma_start3A_80 = arith.constant 32 : i32
      %dma_start3A_81 = tpu.memref_slice %arg7[%dma_start3A_76, %dma_start3A_80] : memref<40x128xi32, #tpu.memory_space<vmem>> -> memref<1x32xi32, #tpu.memory_space<vmem>>
      %dma_start3A_82 = tpu.memref_squeeze %dma_start3A_81 : memref<1x32xi32, #tpu.memory_space<vmem>> -> memref<32xi32, #tpu.memory_space<vmem>>
      %dma_start3A_83 = arith.constant 0 : i32
      %dma_start3A_84 = arith.constant 0 : i32
      %dma_start3A_85 = tpu.memref_slice %arg2[%dma_start3A_83, %dma_start3A_84] : memref<10000x128xf32, #tpu.memory_space<hbm>> -> memref<10000x128xf32, #tpu.memory_space<hbm>>
      tpu.enqueue_indirect_dma source(%dma_start3A_85 : memref<10000x128xf32, #tpu.memory_space<hbm>>) target(%dma_start3A_79 : memref<32x128xf32, #tpu.memory_space<vmem>>) offsets(%dma_start3A_82 : memref<32xi32, #tpu.memory_space<vmem>>) semaphore(%arg13 : memref<!tpu.dma_semaphore, #tpu.memory_space<semaphore_mem>>)
      %dma_start3A_86 = arith.constant 1 : i32
      %dma_start3A_87 = arith.constant 64 : i32
      %dma_start3A_88 = arith.constant 0 : i32
      %dma_start3A_89 = tpu.memref_slice %arg10[%dma_start3A_87, %dma_start3A_88] : memref<128x128xf32, #tpu.memory_space<vmem>> -> memref<32x128xf32, #tpu.memory_space<vmem>>
      %dma_start3A_90 = arith.constant 64 : i32
      %dma_start3A_91 = tpu.memref_slice %arg7[%dma_start3A_86, %dma_start3A_90] : memref<40x128xi32, #tpu.memory_space<vmem>> -> memref<1x32xi32, #tpu.memory_space<vmem>>
      %dma_start3A_92 = tpu.memref_squeeze %dma_start3A_91 : memref<1x32xi32, #tpu.memory_space<vmem>> -> memref<32xi32, #tpu.memory_space<vmem>>
      %dma_start3A_93 = arith.constant 0 : i32
      %dma_start3A_94 = arith.constant 0 : i32
      %dma_start3A_95 = tpu.memref_slice %arg2[%dma_start3A_93, %dma_start3A_94] : memref<10000x128xf32, #tpu.memory_space<hbm>> -> memref<10000x128xf32, #tpu.memory_space<hbm>>
      tpu.enqueue_indirect_dma source(%dma_start3A_95 : memref<10000x128xf32, #tpu.memory_space<hbm>>) target(%dma_start3A_89 : memref<32x128xf32, #tpu.memory_space<vmem>>) offsets(%dma_start3A_92 : memref<32xi32, #tpu.memory_space<vmem>>) semaphore(%arg13 : memref<!tpu.dma_semaphore, #tpu.memory_space<semaphore_mem>>)
      %dma_start3A_96 = arith.constant 1 : i32
      %dma_start3A_97 = arith.constant 96 : i32
      %dma_start3A_98 = arith.constant 0 : i32
      %dma_start3A_99 = tpu.memref_slice %arg10[%dma_start3A_97, %dma_start3A_98] : memref<128x128xf32, #tpu.memory_space<vmem>> -> memref<32x128xf32, #tpu.memory_space<vmem>>
      %dma_start3A_100 = arith.constant 96 : i32
      %dma_start3A_101 = tpu.memref_slice %arg7[%dma_start3A_96, %dma_start3A_100] : memref<40x128xi32, #tpu.memory_space<vmem>> -> memref<1x32xi32, #tpu.memory_space<vmem>>
      %dma_start3A_102 = tpu.memref_squeeze %dma_start3A_101 : memref<1x32xi32, #tpu.memory_space<vmem>> -> memref<32xi32, #tpu.memory_space<vmem>>
      %dma_start3A_103 = arith.constant 0 : i32
      %dma_start3A_104 = arith.constant 0 : i32
      %dma_start3A_105 = tpu.memref_slice %arg2[%dma_start3A_103, %dma_start3A_104] : memref<10000x128xf32, #tpu.memory_space<hbm>> -> memref<10000x128xf32, #tpu.memory_space<hbm>>
      tpu.enqueue_indirect_dma source(%dma_start3A_105 : memref<10000x128xf32, #tpu.memory_space<hbm>>) target(%dma_start3A_99 : memref<32x128xf32, #tpu.memory_space<vmem>>) offsets(%dma_start3A_102 : memref<32xi32, #tpu.memory_space<vmem>>) semaphore(%arg13 : memref<!tpu.dma_semaphore, #tpu.memory_space<semaphore_mem>>)
      %scan3A_106 = arith.constant 0 : i32
      %scan3A_107 = arith.constant 19 : i32
      %scan3A_108 = arith.addi %scan3A_106, %scan3A_107 : i32
      %scan3A_109 = arith.constant 1 : i32
      scf.for %scan3A_125 = %scan3A_106 to %scan3A_108 step %scan3A_109  : i32 {
        %mul3A_126 = arith.constant 1 : i32
        %mul3A_127 = arith.muli %scan3A_125, %mul3A_126 : i32
        %add3A_128 = arith.constant 0 : i32
        %add3A_129 = arith.addi %add3A_128, %mul3A_127 : i32
        %mul3A_130 = arith.constant 2 : i32
        %mul3A_131 = arith.muli %add3A_129, %mul3A_130 : i32
        %dma_wait3A_132 = arith.constant 0 : i32
        %dma_wait3A_133 = tpu.memref_slice %arg8[%mul3A_131, %dma_wait3A_132] : memref<40x128xi32, #tpu.memory_space<vmem>> -> memref<1x128xi32, #tpu.memory_space<vmem>>
        %dma_wait3A_134 = tpu.memref_squeeze %dma_wait3A_133 : memref<1x128xi32, #tpu.memory_space<vmem>> -> memref<128xi32, #tpu.memory_space<vmem>>
        %dma_wait3A_135 = arith.constant 0 : i32
        %dma_wait3A_136 = arith.constant 0 : i32
        %dma_wait3A_137 = tpu.memref_slice %arg2[%dma_wait3A_135, %dma_wait3A_136] : memref<10000x128xf32, #tpu.memory_space<hbm>> -> memref<10000x128xf32, #tpu.memory_space<hbm>>
        tpu.wait_indirect_dma semaphore(%arg12 : memref<!tpu.dma_semaphore, #tpu.memory_space<semaphore_mem>>) src(%dma_wait3A_137 : memref<10000x128xf32, #tpu.memory_space<hbm>>) dst(%arg9 : memref<128x128xf32, #tpu.memory_space<vmem>>)
        "tpu.region"() ({
          %run_scoped3A_222 = tpu.sem_alloc : memref<!tpu.dma_semaphore, #tpu.memory_space<semaphore_mem>>
          %dma_start3A_223 = arith.constant 0 : i32
          %dma_start3A_224 = tpu.memref_slice %arg8[%mul3A_131, %dma_start3A_223] : memref<40x128xi32, #tpu.memory_space<vmem>> -> memref<1x128xi32, #tpu.memory_space<vmem>>
          %dma_start3A_225 = tpu.memref_squeeze %dma_start3A_224 : memref<1x128xi32, #tpu.memory_space<vmem>> -> memref<128xi32, #tpu.memory_space<vmem>>
          %dma_start3A_226 = arith.constant 0 : i32
          %dma_start3A_227 = arith.constant 0 : i32
          %dma_start3A_228 = tpu.memref_slice %arg11[%dma_start3A_226, %dma_start3A_227] : memref<10112x128xf32, #tpu.memory_space<vmem_shared>> -> memref<10112x128xf32, #tpu.memory_space<vmem_shared>>
          tpu.enqueue_indirect_dma source(%arg9 : memref<128x128xf32, #tpu.memory_space<vmem>>) target(%dma_start3A_228 : memref<10112x128xf32, #tpu.memory_space<vmem_shared>>) offsets(%dma_start3A_225 : memref<128xi32, #tpu.memory_space<vmem>>) semaphore(%run_scoped3A_222 : memref<!tpu.dma_semaphore, #tpu.memory_space<semaphore_mem>>) {add = true}
          %dma_wait3A_229 = arith.constant 0 : i32
          %dma_wait3A_230 = tpu.memref_slice %arg8[%mul3A_131, %dma_wait3A_229] : memref<40x128xi32, #tpu.memory_space<vmem>> -> memref<1x128xi32, #tpu.memory_space<vmem>>
          %dma_wait3A_231 = tpu.memref_squeeze %dma_wait3A_230 : memref<1x128xi32, #tpu.memory_space<vmem>> -> memref<128xi32, #tpu.memory_space<vmem>>
          %dma_wait3A_232 = arith.constant 0 : i32
          %dma_wait3A_233 = arith.constant 0 : i32
          %dma_wait3A_234 = tpu.memref_slice %arg11[%dma_wait3A_232, %dma_wait3A_233] : memref<10112x128xf32, #tpu.memory_space<vmem_shared>> -> memref<10112x128xf32, #tpu.memory_space<vmem_shared>>
          tpu.wait_indirect_dma semaphore(%run_scoped3A_222 : memref<!tpu.dma_semaphore, #tpu.memory_space<semaphore_mem>>) src(%arg9 : memref<128x128xf32, #tpu.memory_space<vmem>>) dst(%dma_wait3A_234 : memref<10112x128xf32, #tpu.memory_space<vmem_shared>>)
          tpu.yield
        }) : () -> ()
        %add3A_138 = arith.constant 2 : i32
        %add3A_139 = arith.addi %mul3A_131, %add3A_138 : i32
        %dma_start3A_140 = arith.constant 0 : i32
        %dma_start3A_141 = arith.constant 0 : i32
        %dma_start3A_142 = tpu.memref_slice %arg9[%dma_start3A_140, %dma_start3A_141] : memref<128x128xf32, #tpu.memory_space<vmem>> -> memref<32x128xf32, #tpu.memory_space<vmem>>
        %dma_start3A_143 = arith.constant 0 : i32
        %dma_start3A_144 = tpu.memref_slice %arg7[%add3A_139, %dma_start3A_143] : memref<40x128xi32, #tpu.memory_space<vmem>> -> memref<1x32xi32, #tpu.memory_space<vmem>>
        %dma_start3A_145 = tpu.memref_squeeze %dma_start3A_144 : memref<1x32xi32, #tpu.memory_space<vmem>> -> memref<32xi32, #tpu.memory_space<vmem>>
        %dma_start3A_146 = arith.constant 0 : i32
        %dma_start3A_147 = arith.constant 0 : i32
        %dma_start3A_148 = tpu.memref_slice %arg2[%dma_start3A_146, %dma_start3A_147] : memref<10000x128xf32, #tpu.memory_space<hbm>> -> memref<10000x128xf32, #tpu.memory_space<hbm>>
        tpu.enqueue_indirect_dma source(%dma_start3A_148 : memref<10000x128xf32, #tpu.memory_space<hbm>>) target(%dma_start3A_142 : memref<32x128xf32, #tpu.memory_space<vmem>>) offsets(%dma_start3A_145 : memref<32xi32, #tpu.memory_space<vmem>>) semaphore(%arg12 : memref<!tpu.dma_semaphore, #tpu.memory_space<semaphore_mem>>)
        %dma_start3A_149 = arith.constant 32 : i32
        %dma_start3A_150 = arith.constant 0 : i32
        %dma_start3A_151 = tpu.memref_slice %arg9[%dma_start3A_149, %dma_start3A_150] : memref<128x128xf32, #tpu.memory_space<vmem>> -> memref<32x128xf32, #tpu.memory_space<vmem>>
        %dma_start3A_152 = arith.constant 32 : i32
        %dma_start3A_153 = tpu.memref_slice %arg7[%add3A_139, %dma_start3A_152] : memref<40x128xi32, #tpu.memory_space<vmem>> -> memref<1x32xi32, #tpu.memory_space<vmem>>
        %dma_start3A_154 = tpu.memref_squeeze %dma_start3A_153 : memref<1x32xi32, #tpu.memory_space<vmem>> -> memref<32xi32, #tpu.memory_space<vmem>>
        %dma_start3A_155 = arith.constant 0 : i32
        %dma_start3A_156 = arith.constant 0 : i32
        %dma_start3A_157 = tpu.memref_slice %arg2[%dma_start3A_155, %dma_start3A_156] : memref<10000x128xf32, #tpu.memory_space<hbm>> -> memref<10000x128xf32, #tpu.memory_space<hbm>>
        tpu.enqueue_indirect_dma source(%dma_start3A_157 : memref<10000x128xf32, #tpu.memory_space<hbm>>) target(%dma_start3A_151 : memref<32x128xf32, #tpu.memory_space<vmem>>) offsets(%dma_start3A_154 : memref<32xi32, #tpu.memory_space<vmem>>) semaphore(%arg12 : memref<!tpu.dma_semaphore, #tpu.memory_space<semaphore_mem>>)
        %dma_start3A_158 = arith.constant 64 : i32
        %dma_start3A_159 = arith.constant 0 : i32
        %dma_start3A_160 = tpu.memref_slice %arg9[%dma_start3A_158, %dma_start3A_159] : memref<128x128xf32, #tpu.memory_space<vmem>> -> memref<32x128xf32, #tpu.memory_space<vmem>>
        %dma_start3A_161 = arith.constant 64 : i32
        %dma_start3A_162 = tpu.memref_slice %arg7[%add3A_139, %dma_start3A_161] : memref<40x128xi32, #tpu.memory_space<vmem>> -> memref<1x32xi32, #tpu.memory_space<vmem>>
        %dma_start3A_163 = tpu.memref_squeeze %dma_start3A_162 : memref<1x32xi32, #tpu.memory_space<vmem>> -> memref<32xi32, #tpu.memory_space<vmem>>
        %dma_start3A_164 = arith.constant 0 : i32
        %dma_start3A_165 = arith.constant 0 : i32
        %dma_start3A_166 = tpu.memref_slice %arg2[%dma_start3A_164, %dma_start3A_165] : memref<10000x128xf32, #tpu.memory_space<hbm>> -> memref<10000x128xf32, #tpu.memory_space<hbm>>
        tpu.enqueue_indirect_dma source(%dma_start3A_166 : memref<10000x128xf32, #tpu.memory_space<hbm>>) target(%dma_start3A_160 : memref<32x128xf32, #tpu.memory_space<vmem>>) offsets(%dma_start3A_163 : memref<32xi32, #tpu.memory_space<vmem>>) semaphore(%arg12 : memref<!tpu.dma_semaphore, #tpu.memory_space<semaphore_mem>>)
        %dma_start3A_167 = arith.constant 96 : i32
        %dma_start3A_168 = arith.constant 0 : i32
        %dma_start3A_169 = tpu.memref_slice %arg9[%dma_start3A_167, %dma_start3A_168] : memref<128x128xf32, #tpu.memory_space<vmem>> -> memref<32x128xf32, #tpu.memory_space<vmem>>
        %dma_start3A_170 = arith.constant 96 : i32
        %dma_start3A_171 = tpu.memref_slice %arg7[%add3A_139, %dma_start3A_170] : memref<40x128xi32, #tpu.memory_space<vmem>> -> memref<1x32xi32, #tpu.memory_space<vmem>>
        %dma_start3A_172 = tpu.memref_squeeze %dma_start3A_171 : memref<1x32xi32, #tpu.memory_space<vmem>> -> memref<32xi32, #tpu.memory_space<vmem>>
        %dma_start3A_173 = arith.constant 0 : i32
        %dma_start3A_174 = arith.constant 0 : i32
        %dma_start3A_175 = tpu.memref_slice %arg2[%dma_start3A_173, %dma_start3A_174] : memref<10000x128xf32, #tpu.memory_space<hbm>> -> memref<10000x128xf32, #tpu.memory_space<hbm>>
        tpu.enqueue_indirect_dma source(%dma_start3A_175 : memref<10000x128xf32, #tpu.memory_space<hbm>>) target(%dma_start3A_169 : memref<32x128xf32, #tpu.memory_space<vmem>>) offsets(%dma_start3A_172 : memref<32xi32, #tpu.memory_space<vmem>>) semaphore(%arg12 : memref<!tpu.dma_semaphore, #tpu.memory_space<semaphore_mem>>)
        %add3A_176 = arith.constant 1 : i32
        %add3A_177 = arith.addi %mul3A_131, %add3A_176 : i32
        %dma_wait3A_178 = arith.constant 0 : i32
        %dma_wait3A_179 = tpu.memref_slice %arg8[%add3A_177, %dma_wait3A_178] : memref<40x128xi32, #tpu.memory_space<vmem>> -> memref<1x128xi32, #tpu.memory_space<vmem>>
        %dma_wait3A_180 = tpu.memref_squeeze %dma_wait3A_179 : memref<1x128xi32, #tpu.memory_space<vmem>> -> memref<128xi32, #tpu.memory_space<vmem>>
        %dma_wait3A_181 = arith.constant 0 : i32
        %dma_wait3A_182 = arith.constant 0 : i32
        %dma_wait3A_183 = tpu.memref_slice %arg2[%dma_wait3A_181, %dma_wait3A_182] : memref<10000x128xf32, #tpu.memory_space<hbm>> -> memref<10000x128xf32, #tpu.memory_space<hbm>>
        tpu.wait_indirect_dma semaphore(%arg13 : memref<!tpu.dma_semaphore, #tpu.memory_space<semaphore_mem>>) src(%dma_wait3A_183 : memref<10000x128xf32, #tpu.memory_space<hbm>>) dst(%arg10 : memref<128x128xf32, #tpu.memory_space<vmem>>)
        "tpu.region"() ({
          %run_scoped3A_222 = tpu.sem_alloc : memref<!tpu.dma_semaphore, #tpu.memory_space<semaphore_mem>>
          %dma_start3A_223 = arith.constant 0 : i32
          %dma_start3A_224 = tpu.memref_slice %arg8[%add3A_177, %dma_start3A_223] : memref<40x128xi32, #tpu.memory_space<vmem>> -> memref<1x128xi32, #tpu.memory_space<vmem>>
          %dma_start3A_225 = tpu.memref_squeeze %dma_start3A_224 : memref<1x128xi32, #tpu.memory_space<vmem>> -> memref<128xi32, #tpu.memory_space<vmem>>
          %dma_start3A_226 = arith.constant 0 : i32
          %dma_start3A_227 = arith.constant 0 : i32
          %dma_start3A_228 = tpu.memref_slice %arg11[%dma_start3A_226, %dma_start3A_227] : memref<10112x128xf32, #tpu.memory_space<vmem_shared>> -> memref<10112x128xf32, #tpu.memory_space<vmem_shared>>
          tpu.enqueue_indirect_dma source(%arg10 : memref<128x128xf32, #tpu.memory_space<vmem>>) target(%dma_start3A_228 : memref<10112x128xf32, #tpu.memory_space<vmem_shared>>) offsets(%dma_start3A_225 : memref<128xi32, #tpu.memory_space<vmem>>) semaphore(%run_scoped3A_222 : memref<!tpu.dma_semaphore, #tpu.memory_space<semaphore_mem>>) {add = true}
          %dma_wait3A_229 = arith.constant 0 : i32
          %dma_wait3A_230 = tpu.memref_slice %arg8[%add3A_177, %dma_wait3A_229] : memref<40x128xi32, #tpu.memory_space<vmem>> -> memref<1x128xi32, #tpu.memory_space<vmem>>
          %dma_wait3A_231 = tpu.memref_squeeze %dma_wait3A_230 : memref<1x128xi32, #tpu.memory_space<vmem>> -> memref<128xi32, #tpu.memory_space<vmem>>
          %dma_wait3A_232 = arith.constant 0 : i32
          %dma_wait3A_233 = arith.constant 0 : i32
          %dma_wait3A_234 = tpu.memref_slice %arg11[%dma_wait3A_232, %dma_wait3A_233] : memref<10112x128xf32, #tpu.memory_space<vmem_shared>> -> memref<10112x128xf32, #tpu.memory_space<vmem_shared>>
          tpu.wait_indirect_dma semaphore(%run_scoped3A_222 : memref<!tpu.dma_semaphore, #tpu.memory_space<semaphore_mem>>) src(%arg10 : memref<128x128xf32, #tpu.memory_space<vmem>>) dst(%dma_wait3A_234 : memref<10112x128xf32, #tpu.memory_space<vmem_shared>>)
          tpu.yield
        }) : () -> ()
        %add3A_184 = arith.constant 3 : i32
        %add3A_185 = arith.addi %mul3A_131, %add3A_184 : i32
        %dma_start3A_186 = arith.constant 0 : i32
        %dma_start3A_187 = arith.constant 0 : i32
        %dma_start3A_188 = tpu.memref_slice %arg10[%dma_start3A_186, %dma_start3A_187] : memref<128x128xf32, #tpu.memory_space<vmem>> -> memref<32x128xf32, #tpu.memory_space<vmem>>
        %dma_start3A_189 = arith.constant 0 : i32
        %dma_start3A_190 = tpu.memref_slice %arg7[%add3A_185, %dma_start3A_189] : memref<40x128xi32, #tpu.memory_space<vmem>> -> memref<1x32xi32, #tpu.memory_space<vmem>>
        %dma_start3A_191 = tpu.memref_squeeze %dma_start3A_190 : memref<1x32xi32, #tpu.memory_space<vmem>> -> memref<32xi32, #tpu.memory_space<vmem>>
        %dma_start3A_192 = arith.constant 0 : i32
        %dma_start3A_193 = arith.constant 0 : i32
        %dma_start3A_194 = tpu.memref_slice %arg2[%dma_start3A_192, %dma_start3A_193] : memref<10000x128xf32, #tpu.memory_space<hbm>> -> memref<10000x128xf32, #tpu.memory_space<hbm>>
        tpu.enqueue_indirect_dma source(%dma_start3A_194 : memref<10000x128xf32, #tpu.memory_space<hbm>>) target(%dma_start3A_188 : memref<32x128xf32, #tpu.memory_space<vmem>>) offsets(%dma_start3A_191 : memref<32xi32, #tpu.memory_space<vmem>>) semaphore(%arg13 : memref<!tpu.dma_semaphore, #tpu.memory_space<semaphore_mem>>)
        %dma_start3A_195 = arith.constant 32 : i32
        %dma_start3A_196 = arith.constant 0 : i32
        %dma_start3A_197 = tpu.memref_slice %arg10[%dma_start3A_195, %dma_start3A_196] : memref<128x128xf32, #tpu.memory_space<vmem>> -> memref<32x128xf32, #tpu.memory_space<vmem>>
        %dma_start3A_198 = arith.constant 32 : i32
        %dma_start3A_199 = tpu.memref_slice %arg7[%add3A_185, %dma_start3A_198] : memref<40x128xi32, #tpu.memory_space<vmem>> -> memref<1x32xi32, #tpu.memory_space<vmem>>
        %dma_start3A_200 = tpu.memref_squeeze %dma_start3A_199 : memref<1x32xi32, #tpu.memory_space<vmem>> -> memref<32xi32, #tpu.memory_space<vmem>>
        %dma_start3A_201 = arith.constant 0 : i32
        %dma_start3A_202 = arith.constant 0 : i32
        %dma_start3A_203 = tpu.memref_slice %arg2[%dma_start3A_201, %dma_start3A_202] : memref<10000x128xf32, #tpu.memory_space<hbm>> -> memref<10000x128xf32, #tpu.memory_space<hbm>>
        tpu.enqueue_indirect_dma source(%dma_start3A_203 : memref<10000x128xf32, #tpu.memory_space<hbm>>) target(%dma_start3A_197 : memref<32x128xf32, #tpu.memory_space<vmem>>) offsets(%dma_start3A_200 : memref<32xi32, #tpu.memory_space<vmem>>) semaphore(%arg13 : memref<!tpu.dma_semaphore, #tpu.memory_space<semaphore_mem>>)
        %dma_start3A_204 = arith.constant 64 : i32
        %dma_start3A_205 = arith.constant 0 : i32
        %dma_start3A_206 = tpu.memref_slice %arg10[%dma_start3A_204, %dma_start3A_205] : memref<128x128xf32, #tpu.memory_space<vmem>> -> memref<32x128xf32, #tpu.memory_space<vmem>>
        %dma_start3A_207 = arith.constant 64 : i32
        %dma_start3A_208 = tpu.memref_slice %arg7[%add3A_185, %dma_start3A_207] : memref<40x128xi32, #tpu.memory_space<vmem>> -> memref<1x32xi32, #tpu.memory_space<vmem>>
        %dma_start3A_209 = tpu.memref_squeeze %dma_start3A_208 : memref<1x32xi32, #tpu.memory_space<vmem>> -> memref<32xi32, #tpu.memory_space<vmem>>
        %dma_start3A_210 = arith.constant 0 : i32
        %dma_start3A_211 = arith.constant 0 : i32
        %dma_start3A_212 = tpu.memref_slice %arg2[%dma_start3A_210, %dma_start3A_211] : memref<10000x128xf32, #tpu.memory_space<hbm>> -> memref<10000x128xf32, #tpu.memory_space<hbm>>
        tpu.enqueue_indirect_dma source(%dma_start3A_212 : memref<10000x128xf32, #tpu.memory_space<hbm>>) target(%dma_start3A_206 : memref<32x128xf32, #tpu.memory_space<vmem>>) offsets(%dma_start3A_209 : memref<32xi32, #tpu.memory_space<vmem>>) semaphore(%arg13 : memref<!tpu.dma_semaphore, #tpu.memory_space<semaphore_mem>>)
        %dma_start3A_213 = arith.constant 96 : i32
        %dma_start3A_214 = arith.constant 0 : i32
        %dma_start3A_215 = tpu.memref_slice %arg10[%dma_start3A_213, %dma_start3A_214] : memref<128x128xf32, #tpu.memory_space<vmem>> -> memref<32x128xf32, #tpu.memory_space<vmem>>
        %dma_start3A_216 = arith.constant 96 : i32
        %dma_start3A_217 = tpu.memref_slice %arg7[%add3A_185, %dma_start3A_216] : memref<40x128xi32, #tpu.memory_space<vmem>> -> memref<1x32xi32, #tpu.memory_space<vmem>>
        %dma_start3A_218 = tpu.memref_squeeze %dma_start3A_217 : memref<1x32xi32, #tpu.memory_space<vmem>> -> memref<32xi32, #tpu.memory_space<vmem>>
        %dma_start3A_219 = arith.constant 0 : i32
        %dma_start3A_220 = arith.constant 0 : i32
        %dma_start3A_221 = tpu.memref_slice %arg2[%dma_start3A_219, %dma_start3A_220] : memref<10000x128xf32, #tpu.memory_space<hbm>> -> memref<10000x128xf32, #tpu.memory_space<hbm>>
        tpu.enqueue_indirect_dma source(%dma_start3A_221 : memref<10000x128xf32, #tpu.memory_space<hbm>>) target(%dma_start3A_215 : memref<32x128xf32, #tpu.memory_space<vmem>>) offsets(%dma_start3A_218 : memref<32xi32, #tpu.memory_space<vmem>>) semaphore(%arg13 : memref<!tpu.dma_semaphore, #tpu.memory_space<semaphore_mem>>)
      }
      %scan3A_110 = arith.constant 19 : i32
      %dma_wait3A = arith.constant 38 : i32
      %dma_wait3A_111 = arith.constant 0 : i32
      %dma_wait3A_112 = tpu.memref_slice %arg8[%dma_wait3A, %dma_wait3A_111] : memref<40x128xi32, #tpu.memory_space<vmem>> -> memref<1x128xi32, #tpu.memory_space<vmem>>
      %dma_wait3A_113 = tpu.memref_squeeze %dma_wait3A_112 : memref<1x128xi32, #tpu.memory_space<vmem>> -> memref<128xi32, #tpu.memory_space<vmem>>
      %dma_wait3A_114 = arith.constant 0 : i32
      %dma_wait3A_115 = arith.constant 0 : i32
      %dma_wait3A_116 = tpu.memref_slice %arg2[%dma_wait3A_114, %dma_wait3A_115] : memref<10000x128xf32, #tpu.memory_space<hbm>> -> memref<10000x128xf32, #tpu.memory_space<hbm>>
      tpu.wait_indirect_dma semaphore(%arg12 : memref<!tpu.dma_semaphore, #tpu.memory_space<semaphore_mem>>) src(%dma_wait3A_116 : memref<10000x128xf32, #tpu.memory_space<hbm>>) dst(%arg9 : memref<128x128xf32, #tpu.memory_space<vmem>>)
      %run_scoped3A = arith.constant 38 : i32
      "tpu.region"() ({
        %run_scoped3A_125 = tpu.sem_alloc : memref<!tpu.dma_semaphore, #tpu.memory_space<semaphore_mem>>
        %dma_start3A_126 = arith.constant 0 : i32
        %dma_start3A_127 = tpu.memref_slice %arg8[%run_scoped3A, %dma_start3A_126] : memref<40x128xi32, #tpu.memory_space<vmem>> -> memref<1x128xi32, #tpu.memory_space<vmem>>
        %dma_start3A_128 = tpu.memref_squeeze %dma_start3A_127 : memref<1x128xi32, #tpu.memory_space<vmem>> -> memref<128xi32, #tpu.memory_space<vmem>>
        %dma_start3A_129 = arith.constant 0 : i32
        %dma_start3A_130 = arith.constant 0 : i32
        %dma_start3A_131 = tpu.memref_slice %arg11[%dma_start3A_129, %dma_start3A_130] : memref<10112x128xf32, #tpu.memory_space<vmem_shared>> -> memref<10112x128xf32, #tpu.memory_space<vmem_shared>>
        tpu.enqueue_indirect_dma source(%arg9 : memref<128x128xf32, #tpu.memory_space<vmem>>) target(%dma_start3A_131 : memref<10112x128xf32, #tpu.memory_space<vmem_shared>>) offsets(%dma_start3A_128 : memref<128xi32, #tpu.memory_space<vmem>>) semaphore(%run_scoped3A_125 : memref<!tpu.dma_semaphore, #tpu.memory_space<semaphore_mem>>) {add = true}
        %dma_wait3A_132 = arith.constant 0 : i32
        %dma_wait3A_133 = tpu.memref_slice %arg8[%run_scoped3A, %dma_wait3A_132] : memref<40x128xi32, #tpu.memory_space<vmem>> -> memref<1x128xi32, #tpu.memory_space<vmem>>
        %dma_wait3A_134 = tpu.memref_squeeze %dma_wait3A_133 : memref<1x128xi32, #tpu.memory_space<vmem>> -> memref<128xi32, #tpu.memory_space<vmem>>
        %dma_wait3A_135 = arith.constant 0 : i32
        %dma_wait3A_136 = arith.constant 0 : i32
        %dma_wait3A_137 = tpu.memref_slice %arg11[%dma_wait3A_135, %dma_wait3A_136] : memref<10112x128xf32, #tpu.memory_space<vmem_shared>> -> memref<10112x128xf32, #tpu.memory_space<vmem_shared>>
        tpu.wait_indirect_dma semaphore(%run_scoped3A_125 : memref<!tpu.dma_semaphore, #tpu.memory_space<semaphore_mem>>) src(%arg9 : memref<128x128xf32, #tpu.memory_space<vmem>>) dst(%dma_wait3A_137 : memref<10112x128xf32, #tpu.memory_space<vmem_shared>>)
        tpu.yield
      }) : () -> ()
      %dma_wait3A_117 = arith.constant 39 : i32
      %dma_wait3A_118 = arith.constant 0 : i32
      %dma_wait3A_119 = tpu.memref_slice %arg8[%dma_wait3A_117, %dma_wait3A_118] : memref<40x128xi32, #tpu.memory_space<vmem>> -> memref<1x128xi32, #tpu.memory_space<vmem>>
      %dma_wait3A_120 = tpu.memref_squeeze %dma_wait3A_119 : memref<1x128xi32, #tpu.memory_space<vmem>> -> memref<128xi32, #tpu.memory_space<vmem>>
      %dma_wait3A_121 = arith.constant 0 : i32
      %dma_wait3A_122 = arith.constant 0 : i32
      %dma_wait3A_123 = tpu.memref_slice %arg2[%dma_wait3A_121, %dma_wait3A_122] : memref<10000x128xf32, #tpu.memory_space<hbm>> -> memref<10000x128xf32, #tpu.memory_space<hbm>>
      tpu.wait_indirect_dma semaphore(%arg13 : memref<!tpu.dma_semaphore, #tpu.memory_space<semaphore_mem>>) src(%dma_wait3A_123 : memref<10000x128xf32, #tpu.memory_space<hbm>>) dst(%arg10 : memref<128x128xf32, #tpu.memory_space<vmem>>)
      %run_scoped3A_124 = arith.constant 39 : i32
      "tpu.region"() ({
        %run_scoped3A_125 = tpu.sem_alloc : memref<!tpu.dma_semaphore, #tpu.memory_space<semaphore_mem>>
        %dma_start3A_126 = arith.constant 0 : i32
        %dma_start3A_127 = tpu.memref_slice %arg8[%run_scoped3A_124, %dma_start3A_126] : memref<40x128xi32, #tpu.memory_space<vmem>> -> memref<1x128xi32, #tpu.memory_space<vmem>>
        %dma_start3A_128 = tpu.memref_squeeze %dma_start3A_127 : memref<1x128xi32, #tpu.memory_space<vmem>> -> memref<128xi32, #tpu.memory_space<vmem>>
        %dma_start3A_129 = arith.constant 0 : i32
        %dma_start3A_130 = arith.constant 0 : i32
        %dma_start3A_131 = tpu.memref_slice %arg11[%dma_start3A_129, %dma_start3A_130] : memref<10112x128xf32, #tpu.memory_space<vmem_shared>> -> memref<10112x128xf32, #tpu.memory_space<vmem_shared>>
        tpu.enqueue_indirect_dma source(%arg10 : memref<128x128xf32, #tpu.memory_space<vmem>>) target(%dma_start3A_131 : memref<10112x128xf32, #tpu.memory_space<vmem_shared>>) offsets(%dma_start3A_128 : memref<128xi32, #tpu.memory_space<vmem>>) semaphore(%run_scoped3A_125 : memref<!tpu.dma_semaphore, #tpu.memory_space<semaphore_mem>>) {add = true}
        %dma_wait3A_132 = arith.constant 0 : i32
        %dma_wait3A_133 = tpu.memref_slice %arg8[%run_scoped3A_124, %dma_wait3A_132] : memref<40x128xi32, #tpu.memory_space<vmem>> -> memref<1x128xi32, #tpu.memory_space<vmem>>
        %dma_wait3A_134 = tpu.memref_squeeze %dma_wait3A_133 : memref<1x128xi32, #tpu.memory_space<vmem>> -> memref<128xi32, #tpu.memory_space<vmem>>
        %dma_wait3A_135 = arith.constant 0 : i32
        %dma_wait3A_136 = arith.constant 0 : i32
        %dma_wait3A_137 = tpu.memref_slice %arg11[%dma_wait3A_135, %dma_wait3A_136] : memref<10112x128xf32, #tpu.memory_space<vmem_shared>> -> memref<10112x128xf32, #tpu.memory_space<vmem_shared>>
        tpu.wait_indirect_dma semaphore(%run_scoped3A_125 : memref<!tpu.dma_semaphore, #tpu.memory_space<semaphore_mem>>) src(%arg10 : memref<128x128xf32, #tpu.memory_space<vmem>>) dst(%dma_wait3A_137 : memref<10112x128xf32, #tpu.memory_space<vmem_shared>>)
        tpu.yield
      }) : () -> ()
    }
    %scan3A_8 = arith.constant 2 : i32
    %barrier3A_9 = arith.constant 0 : index
    tpu.barrier barrier_id(%barrier3A_9)
    %mul3A_10 = arith.constant 632 : i32
    %mul3A_11 = arith.muli %arg1, %mul3A_10 : i32
    %mul3A_12 = arith.constant 10112 : i32
    %mul3A_13 = arith.muli %arg0, %mul3A_12 : i32
    %mul3A_14 = arith.constant 632 : i32
    %mul3A_15 = arith.muli %arg1, %mul3A_14 : i32
    %add3A_16 = arith.addi %mul3A_13, %mul3A_15 : i32
    "tpu.region"() ({
      %run_scoped3A = tpu.sem_alloc : memref<!tpu.dma_semaphore, #tpu.memory_space<semaphore_mem>>
      %dma_start3A = arith.constant 0 : i32
      %dma_start3A_17 = tpu.memref_slice %arg6[%add3A_16, %dma_start3A] : memref<20224x128xf32, #tpu.memory_space<hbm>> -> memref<632x128xf32, #tpu.memory_space<hbm>>
      %dma_start3A_18 = arith.constant 0 : i32
      %dma_start3A_19 = tpu.memref_slice %arg11[%mul3A_11, %dma_start3A_18] : memref<10112x128xf32, #tpu.memory_space<vmem_shared>> -> memref<632x128xf32, #tpu.memory_space<vmem_shared>>
      tpu.enqueue_dma source(%dma_start3A_19 : memref<632x128xf32, #tpu.memory_space<vmem_shared>>) target(%dma_start3A_17 : memref<632x128xf32, #tpu.memory_space<hbm>>) target_semaphore(%run_scoped3A : memref<!tpu.dma_semaphore, #tpu.memory_space<semaphore_mem>>)
      %dma_wait3A = arith.constant 0 : i32
      %dma_wait3A_20 = tpu.memref_slice %arg6[%add3A_16, %dma_wait3A] : memref<20224x128xf32, #tpu.memory_space<hbm>> -> memref<632x128xf32, #tpu.memory_space<hbm>>
      %dma_wait3A_21 = arith.constant 0 : i32
      %dma_wait3A_22 = tpu.memref_slice %arg11[%mul3A_11, %dma_wait3A_21] : memref<10112x128xf32, #tpu.memory_space<vmem_shared>> -> memref<632x128xf32, #tpu.memory_space<vmem_shared>>
      tpu.wait_dma2 semaphore(%run_scoped3A : memref<!tpu.dma_semaphore, #tpu.memory_space<semaphore_mem>>) src(%dma_wait3A_22 : memref<632x128xf32, #tpu.memory_space<vmem_shared>>) dst(%dma_wait3A_20 : memref<632x128xf32, #tpu.memory_space<hbm>>)
      tpu.yield
    }) : () -> ()
    return
  }
}

module attributes {stable_mosaic.version = 14 : i64} {
  func.func @body(%arg0: i32, %arg1: memref<2000x128xf32, #tpu.memory_space<vmem>>, %arg2: memref<128x128xf32, #tpu.memory_space<vmem>>, %arg3: memref<2000x128xf32, #tpu.memory_space<vmem>>) attributes {dimension_semantics = [#tpu.dimension_semantics<arbitrary>], iteration_bounds = array<i64: 5>, scalar_prefetch = 0 : i64, scratch_operands = 0 : i64, tpu.core_type = #tpu.core_type<tc>, window_params = [{transform_indices = @transform_0, window_bounds = array<i64: 2000, 128>}, {pipeline_mode = #tpu.pipeline_mode<synchronous>, transform_indices = @transform_1, window_bounds = array<i64: 128, 128>}, {transform_indices = @transform_2, window_bounds = array<i64: 2000, 128>}]} {
    %get3A = arith.constant 0 : index
    %get3A_0 = arith.constant 0 : index
    %get3A_1 = vector.load %arg1[%get3A, %get3A_0] : memref<2000x128xf32, #tpu.memory_space<vmem>>, vector<2000x128xf32>
    %get3A_2 = arith.constant 0 : index
    %get3A_3 = arith.constant 0 : index
    %get3A_4 = vector.load %arg2[%get3A_2, %get3A_3] : memref<128x128xf32, #tpu.memory_space<vmem>>, vector<128x128xf32>
    %dot_general3A = arith.constant dense<0.000000e+00> : vector<2000x128xf32>
    %dot_general3A_5 = tpu.matmul %get3A_1, %get3A_4, %dot_general3A {dimension_numbers = #tpu.dot_dimension_numbers<[1], [0], [0], [1], [0, 0, 1, 1], [], []>, transpose_lhs_hint = false} : vector<2000x128xf32>, vector<128x128xf32>, vector<2000x128xf32> -> vector<2000x128xf32>
    %swap3A = arith.constant 0 : index
    %swap3A_6 = arith.constant 0 : index
    %swap3A_7 = vector.load %arg3[%swap3A, %swap3A_6] : memref<2000x128xf32, #tpu.memory_space<vmem>>, vector<2000x128xf32>
    tpu.vector_store %arg3[%swap3A, %swap3A_6], %dot_general3A_5 {strides = array<i32>} : memref<2000x128xf32, #tpu.memory_space<vmem>>, vector<2000x128xf32>,
    return
  }
  func.func @transform_0(%arg0: i32) -> (i32, i32) {
    %c0_i32 = arith.constant 0 : i32
    %c0_i32_0 = arith.constant 0 : i32
    return %arg0, %c0_i32 : i32, i32
  }
  func.func @transform_1(%arg0: i32) -> (i32, i32) {
    %c0_i32 = arith.constant 0 : i32
    %c0_i32_0 = arith.constant 0 : i32
    %c0_i32_1 = arith.constant 0 : i32
    return %c0_i32, %c0_i32_0 : i32, i32
  }
  func.func @transform_2(%arg0: i32) -> (i32, i32) {
    %c0_i32 = arith.constant 0 : i32
    %c0_i32_0 = arith.constant 0 : i32
    return %arg0, %c0_i32 : i32, i32
  }
}

module attributes {stable_mosaic.version = 14 : i64} {
  func.func @body(%arg0: i32, %arg1: memref<2000x128xf32, #tpu.memory_space<vmem>>, %arg2: memref<2000x16xf32, #tpu.memory_space<vmem>>, %arg3: memref<2000x16xf32, #tpu.memory_space<vmem>>, %arg4: memref<2000x128xf32, #tpu.memory_space<vmem>>) attributes {dimension_semantics = [#tpu.dimension_semantics<arbitrary>], iteration_bounds = array<i64: 5>, scalar_prefetch = 0 : i64, scratch_operands = 0 : i64, tpu.core_type = #tpu.core_type<tc>, window_params = [{transform_indices = @transform_0, window_bounds = array<i64: 2000, 128>}, {transform_indices = @transform_1, window_bounds = array<i64: 2000, 16>}, {transform_indices = @transform_2, window_bounds = array<i64: 2000, 16>}, {transform_indices = @transform_3, window_bounds = array<i64: 2000, 128>}]} {
    %get3A = arith.constant 0 : index
    %get3A_0 = arith.constant 0 : index
    %get3A_1 = vector.load %arg1[%get3A, %get3A_0] : memref<2000x128xf32, #tpu.memory_space<vmem>>, vector<2000x128xf32>
    %get3A_2 = arith.constant 0 : index
    %get3A_3 = arith.constant 0 : index
    %get3A_4 = vector.load %arg2[%get3A_2, %get3A_3] : memref<2000x16xf32, #tpu.memory_space<vmem>>, vector<2000x1xf32>
    %get3A_5 = arith.constant 0 : index
    %get3A_6 = arith.constant 0 : index
    %get3A_7 = vector.load %arg3[%get3A_5, %get3A_6] : memref<2000x16xf32, #tpu.memory_space<vmem>>, vector<2000x1xf32>
    %add3A = arith.addf %get3A_4, %get3A_7 : vector<2000x1xf32>
    %add3A_8 = arith.constant 1.000000e+00 : f32
    %add3A_9 = vector.broadcast %add3A_8 : f32 to vector<2000x1xf32>
    %add3A_10 = arith.addf %add3A, %add3A_9 : vector<2000x1xf32>
    %rsqrt3A = math.rsqrt %add3A_10 : vector<2000x1xf32>
    %mul3A = vector.broadcast %rsqrt3A : vector<2000x1xf32> to vector<2000x128xf32>
    %mul3A_11 = arith.mulf %get3A_1, %mul3A : vector<2000x128xf32>
    %swap3A = arith.constant 0 : index
    %swap3A_12 = arith.constant 0 : index
    %swap3A_13 = vector.load %arg4[%swap3A, %swap3A_12] : memref<2000x128xf32, #tpu.memory_space<vmem>>, vector<2000x128xf32>
    tpu.vector_store %arg4[%swap3A, %swap3A_12], %mul3A_11 {strides = array<i32>} : memref<2000x128xf32, #tpu.memory_space<vmem>>, vector<2000x128xf32>,
    return
  }
  func.func @transform_0(%arg0: i32) -> (i32, i32) {
    %c0_i32 = arith.constant 0 : i32
    %c0_i32_0 = arith.constant 0 : i32
    return %arg0, %c0_i32 : i32, i32
  }
  func.func @transform_1(%arg0: i32) -> (i32, i32) {
    %c0_i32 = arith.constant 0 : i32
    %c0_i32_0 = arith.constant 0 : i32
    return %arg0, %c0_i32 : i32, i32
  }
  func.func @transform_2(%arg0: i32) -> (i32, i32) {
    %c0_i32 = arith.constant 0 : i32
    %c0_i32_0 = arith.constant 0 : i32
    return %arg0, %c0_i32 : i32, i32
  }
  func.func @transform_3(%arg0: i32) -> (i32, i32) {
    %c0_i32 = arith.constant 0 : i32
    %c0_i32_0 = arith.constant 0 : i32
    return %arg0, %c0_i32 : i32, i32
  }
}

module attributes {stable_mosaic.version = 14 : i64} {
  func.func @body(%arg0: i32, %arg1: memref<2000x128xf32, #tpu.memory_space<vmem>>, %arg2: memref<2000x128xf32, #tpu.memory_space<vmem>>, %arg3: memref<2000x128xf32, #tpu.memory_space<vmem>>, %arg4: memref<2000x16xf32, #tpu.memory_space<vmem>>, %arg5: memref<2000x16xf32, #tpu.memory_space<vmem>>, %arg6: memref<1x128xf32, #tpu.memory_space<vmem>>, %arg7: memref<128x128xf32, #tpu.memory_space<vmem>>, %arg8: memref<2000x128xf32, #tpu.memory_space<vmem>>) attributes {dimension_semantics = [#tpu.dimension_semantics<arbitrary>], iteration_bounds = array<i64: 5>, scalar_prefetch = 0 : i64, scratch_operands = 0 : i64, tpu.core_type = #tpu.core_type<tc>, window_params = [{transform_indices = @transform_0, window_bounds = array<i64: 2000, 128>}, {transform_indices = @transform_1, window_bounds = array<i64: 2000, 128>}, {transform_indices = @transform_2, window_bounds = array<i64: 2000, 128>}, {transform_indices = @transform_3, window_bounds = array<i64: 2000, 16>}, {transform_indices = @transform_4, window_bounds = array<i64: 2000, 16>}, {pipeline_mode = #tpu.pipeline_mode<synchronous>, transform_indices = @transform_5, window_bounds = array<i64: 1, 128>}, {pipeline_mode = #tpu.pipeline_mode<synchronous>, transform_indices = @transform_6, window_bounds = array<i64: 128, 128>}, {transform_indices = @transform_7, window_bounds = array<i64: 2000, 128>}]} {
    %get3A = arith.constant 0 : index
    %get3A_0 = arith.constant 0 : index
    %get3A_1 = vector.load %arg4[%get3A, %get3A_0] : memref<2000x16xf32, #tpu.memory_space<vmem>>, vector<2000x1xf32>
    %get3A_2 = arith.constant 0 : index
    %get3A_3 = arith.constant 0 : index
    %get3A_4 = vector.load %arg5[%get3A_2, %get3A_3] : memref<2000x16xf32, #tpu.memory_space<vmem>>, vector<2000x1xf32>
    %add3A = arith.addf %get3A_1, %get3A_4 : vector<2000x1xf32>
    %add3A_5 = arith.constant 1.000000e+00 : f32
    %add3A_6 = vector.broadcast %add3A_5 : f32 to vector<2000x1xf32>
    %add3A_7 = arith.addf %add3A, %add3A_6 : vector<2000x1xf32>
    %rsqrt3A = math.rsqrt %add3A_7 : vector<2000x1xf32>
    %get3A_8 = arith.constant 0 : index
    %get3A_9 = arith.constant 0 : index
    %get3A_10 = vector.load %arg1[%get3A_8, %get3A_9] : memref<2000x128xf32, #tpu.memory_space<vmem>>, vector<2000x128xf32>
    %get3A_11 = arith.constant 0 : index
    %get3A_12 = arith.constant 0 : index
    %get3A_13 = vector.load %arg2[%get3A_11, %get3A_12] : memref<2000x128xf32, #tpu.memory_space<vmem>>, vector<2000x128xf32>
    %add3A_14 = arith.addf %get3A_10, %get3A_13 : vector<2000x128xf32>
    %get3A_15 = arith.constant 0 : index
    %get3A_16 = arith.constant 0 : index
    %get3A_17 = vector.load %arg3[%get3A_15, %get3A_16] : memref<2000x128xf32, #tpu.memory_space<vmem>>, vector<2000x128xf32>
    %add3A_18 = arith.addf %add3A_14, %get3A_17 : vector<2000x128xf32>
    %mul3A = vector.broadcast %rsqrt3A : vector<2000x1xf32> to vector<2000x128xf32>
    %mul3A_19 = arith.mulf %add3A_18, %mul3A : vector<2000x128xf32>
    %get3A_20 = arith.constant 0 : index
    %get3A_21 = arith.constant 0 : index
    %get3A_22 = vector.load %arg6[%get3A_20, %get3A_21] : memref<1x128xf32, #tpu.memory_space<vmem>>, vector<1x128xf32>
    %add3A_23 = vector.broadcast %get3A_22 : vector<1x128xf32> to vector<2000x128xf32>
    %add3A_24 = arith.addf %mul3A_19, %add3A_23 : vector<2000x128xf32>
    %max3A = arith.constant 0.000000e+00 : f32
    %max3A_25 = vector.broadcast %max3A : f32 to vector<2000x128xf32>
    %max3A_26 = arith.maximumf %add3A_24, %max3A_25 : vector<2000x128xf32>
    %get3A_27 = arith.constant 0 : index
    %get3A_28 = arith.constant 0 : index
    %get3A_29 = vector.load %arg7[%get3A_27, %get3A_28] : memref<128x128xf32, #tpu.memory_space<vmem>>, vector<128x128xf32>
    %dot_general3A = arith.constant dense<0.000000e+00> : vector<2000x128xf32>
    %dot_general3A_30 = tpu.matmul %max3A_26, %get3A_29, %dot_general3A {dimension_numbers = #tpu.dot_dimension_numbers<[1], [0], [0], [1], [0, 0, 1, 1], [], []>, transpose_lhs_hint = false} : vector<2000x128xf32>, vector<128x128xf32>, vector<2000x128xf32> -> vector<2000x128xf32>
    %mul3A_31 = vector.broadcast %rsqrt3A : vector<2000x1xf32> to vector<2000x128xf32>
    %mul3A_32 = arith.mulf %dot_general3A_30, %mul3A_31 : vector<2000x128xf32>
    %swap3A = arith.constant 0 : index
    %swap3A_33 = arith.constant 0 : index
    %swap3A_34 = vector.load %arg8[%swap3A, %swap3A_33] : memref<2000x128xf32, #tpu.memory_space<vmem>>, vector<2000x128xf32>
    tpu.vector_store %arg8[%swap3A, %swap3A_33], %mul3A_32 {strides = array<i32>} : memref<2000x128xf32, #tpu.memory_space<vmem>>, vector<2000x128xf32>,
    return
  }
  func.func @transform_0(%arg0: i32) -> (i32, i32) {
    %c0_i32 = arith.constant 0 : i32
    %c0_i32_0 = arith.constant 0 : i32
    return %arg0, %c0_i32 : i32, i32
  }
  func.func @transform_1(%arg0: i32) -> (i32, i32) {
    %c0_i32 = arith.constant 0 : i32
    %c0_i32_0 = arith.constant 0 : i32
    return %arg0, %c0_i32 : i32, i32
  }
  func.func @transform_2(%arg0: i32) -> (i32, i32) {
    %c0_i32 = arith.constant 0 : i32
    %c0_i32_0 = arith.constant 0 : i32
    return %arg0, %c0_i32 : i32, i32
  }
  func.func @transform_3(%arg0: i32) -> (i32, i32) {
    %c0_i32 = arith.constant 0 : i32
    %c0_i32_0 = arith.constant 0 : i32
    return %arg0, %c0_i32 : i32, i32
  }
  func.func @transform_4(%arg0: i32) -> (i32, i32) {
    %c0_i32 = arith.constant 0 : i32
    %c0_i32_0 = arith.constant 0 : i32
    return %arg0, %c0_i32 : i32, i32
  }
  func.func @transform_5(%arg0: i32) -> (i32, i32) {
    %c0_i32 = arith.constant 0 : i32
    %c0_i32_0 = arith.constant 0 : i32
    %c0_i32_1 = arith.constant 0 : i32
    return %c0_i32, %c0_i32_0 : i32, i32
  }
  func.func @transform_6(%arg0: i32) -> (i32, i32) {
    %c0_i32 = arith.constant 0 : i32
    %c0_i32_0 = arith.constant 0 : i32
    %c0_i32_1 = arith.constant 0 : i32
    return %c0_i32, %c0_i32_0 : i32, i32
  }
  func.func @transform_7(%arg0: i32) -> (i32, i32) {
    %c0_i32 = arith.constant 0 : i32
    %c0_i32_0 = arith.constant 0 : i32
    return %arg0, %c0_i32 : i32, i32
  }
}

module attributes {stable_mosaic.version = 14 : i64} {
  func.func @body(%arg0: i32, %arg1: memref<2000x128xf32, #tpu.memory_space<vmem>>, %arg2: memref<2000x128xf32, #tpu.memory_space<vmem>>, %arg3: memref<2000x128xf32, #tpu.memory_space<vmem>>, %arg4: memref<2000x16xf32, #tpu.memory_space<vmem>>, %arg5: memref<2000x16xf32, #tpu.memory_space<vmem>>, %arg6: memref<1x128xf32, #tpu.memory_space<vmem>>, %arg7: memref<2000x128xf32, #tpu.memory_space<vmem>>) attributes {dimension_semantics = [#tpu.dimension_semantics<arbitrary>], iteration_bounds = array<i64: 5>, scalar_prefetch = 0 : i64, scratch_operands = 0 : i64, tpu.core_type = #tpu.core_type<tc>, window_params = [{transform_indices = @transform_0, window_bounds = array<i64: 2000, 128>}, {transform_indices = @transform_1, window_bounds = array<i64: 2000, 128>}, {transform_indices = @transform_2, window_bounds = array<i64: 2000, 128>}, {transform_indices = @transform_3, window_bounds = array<i64: 2000, 16>}, {transform_indices = @transform_4, window_bounds = array<i64: 2000, 16>}, {pipeline_mode = #tpu.pipeline_mode<synchronous>, transform_indices = @transform_5, window_bounds = array<i64: 1, 128>}, {transform_indices = @transform_6, window_bounds = array<i64: 2000, 128>}]} {
    %get3A = arith.constant 0 : index
    %get3A_0 = arith.constant 0 : index
    %get3A_1 = vector.load %arg4[%get3A, %get3A_0] : memref<2000x16xf32, #tpu.memory_space<vmem>>, vector<2000x1xf32>
    %get3A_2 = arith.constant 0 : index
    %get3A_3 = arith.constant 0 : index
    %get3A_4 = vector.load %arg5[%get3A_2, %get3A_3] : memref<2000x16xf32, #tpu.memory_space<vmem>>, vector<2000x1xf32>
    %add3A = arith.addf %get3A_1, %get3A_4 : vector<2000x1xf32>
    %add3A_5 = arith.constant 1.000000e+00 : f32
    %add3A_6 = vector.broadcast %add3A_5 : f32 to vector<2000x1xf32>
    %add3A_7 = arith.addf %add3A, %add3A_6 : vector<2000x1xf32>
    %rsqrt3A = math.rsqrt %add3A_7 : vector<2000x1xf32>
    %get3A_8 = arith.constant 0 : index
    %get3A_9 = arith.constant 0 : index
    %get3A_10 = vector.load %arg1[%get3A_8, %get3A_9] : memref<2000x128xf32, #tpu.memory_space<vmem>>, vector<2000x128xf32>
    %get3A_11 = arith.constant 0 : index
    %get3A_12 = arith.constant 0 : index
    %get3A_13 = vector.load %arg2[%get3A_11, %get3A_12] : memref<2000x128xf32, #tpu.memory_space<vmem>>, vector<2000x128xf32>
    %add3A_14 = arith.addf %get3A_10, %get3A_13 : vector<2000x128xf32>
    %get3A_15 = arith.constant 0 : index
    %get3A_16 = arith.constant 0 : index
    %get3A_17 = vector.load %arg3[%get3A_15, %get3A_16] : memref<2000x128xf32, #tpu.memory_space<vmem>>, vector<2000x128xf32>
    %add3A_18 = arith.addf %add3A_14, %get3A_17 : vector<2000x128xf32>
    %mul3A = vector.broadcast %rsqrt3A : vector<2000x1xf32> to vector<2000x128xf32>
    %mul3A_19 = arith.mulf %add3A_18, %mul3A : vector<2000x128xf32>
    %get3A_20 = arith.constant 0 : index
    %get3A_21 = arith.constant 0 : index
    %get3A_22 = vector.load %arg6[%get3A_20, %get3A_21] : memref<1x128xf32, #tpu.memory_space<vmem>>, vector<1x128xf32>
    %add3A_23 = vector.broadcast %get3A_22 : vector<1x128xf32> to vector<2000x128xf32>
    %add3A_24 = arith.addf %mul3A_19, %add3A_23 : vector<2000x128xf32>
    %swap3A = arith.constant 0 : index
    %swap3A_25 = arith.constant 0 : index
    %swap3A_26 = vector.load %arg7[%swap3A, %swap3A_25] : memref<2000x128xf32, #tpu.memory_space<vmem>>, vector<2000x128xf32>
    tpu.vector_store %arg7[%swap3A, %swap3A_25], %add3A_24 {strides = array<i32>} : memref<2000x128xf32, #tpu.memory_space<vmem>>, vector<2000x128xf32>,
    return
  }
  func.func @transform_0(%arg0: i32) -> (i32, i32) {
    %c0_i32 = arith.constant 0 : i32
    %c0_i32_0 = arith.constant 0 : i32
    return %arg0, %c0_i32 : i32, i32
  }
  func.func @transform_1(%arg0: i32) -> (i32, i32) {
    %c0_i32 = arith.constant 0 : i32
    %c0_i32_0 = arith.constant 0 : i32
    return %arg0, %c0_i32 : i32, i32
  }
  func.func @transform_2(%arg0: i32) -> (i32, i32) {
    %c0_i32 = arith.constant 0 : i32
    %c0_i32_0 = arith.constant 0 : i32
    return %arg0, %c0_i32 : i32, i32
  }
  func.func @transform_3(%arg0: i32) -> (i32, i32) {
    %c0_i32 = arith.constant 0 : i32
    %c0_i32_0 = arith.constant 0 : i32
    return %arg0, %c0_i32 : i32, i32
  }
  func.func @transform_4(%arg0: i32) -> (i32, i32) {
    %c0_i32 = arith.constant 0 : i32
    %c0_i32_0 = arith.constant 0 : i32
    return %arg0, %c0_i32 : i32, i32
  }
  func.func @transform_5(%arg0: i32) -> (i32, i32) {
    %c0_i32 = arith.constant 0 : i32
    %c0_i32_0 = arith.constant 0 : i32
    %c0_i32_1 = arith.constant 0 : i32
    return %c0_i32, %c0_i32_0 : i32, i32
  }
  func.func @transform_6(%arg0: i32) -> (i32, i32) {
    %c0_i32 = arith.constant 0 : i32
    %c0_i32_0 = arith.constant 0 : i32
    return %arg0, %c0_i32 : i32, i32
  }
}

</mosaic_0001>

<sc_bundles>
// kernel: kernel.12.cloned.1.call-start
scs
__scs_entry_jumppad:
0x0: {  	(pc) =	sbr.rel $0x88, $3  }
0x1: {  	(tag) =	ssettag $0x0;
	lr =	simm.s32 $0x1  }
0x2: {  	[smem:$0x3F9B] =	sst lr;
	_ =	strace $0xD0000000  }
0x3: {  	_ = 	snop  }
0x4: {  	_ = 	snop  }
0x5: {  	_ = 	snop  }
0x6: {  	_ = 	snop  }
0x7: {  	_ = 	snop  }
__scs_overlays_trampoline_lowered:
0x8: {  	[smem:$0x3FAA] =	sst s0  }
0x9: {  	[smem:$0x3FAB] =	sst s1  }
0xa: {  	[smem:$0x3FAC] =	sst s2  }
0xb: {  	[smem:$0x3FAD] =	sst s3  }
0xc: {  	[smem:$0x3FAE] =	sst s4  }
0xd: {  	[smem:$0x3FAF] =	sst s5  }
0xe: {  	[smem:$0x3FB0] =	sst s6  }
0xf: {  	[smem:$0x3FB1] =	sst s7  }
0x10: {  	[smem:$0x3FB2] =	sst s8  }
0x11: {  	[smem:$0x3FB3] =	sst s9;
	s0 =	simm.s32 @!p0 $0x0  }
0x12: {  	s1 =	sld [smem:$0x3F99];
	s0 =	simm.s32 @p0 $0x1  }
0x13: {  	[smem:$0x3FB4] =	sst s0;
	s0 =	simm.s32 @!p1 $0x0  }
0x14: {  	s2 =	sld [smem:$0x3F98];
	s0 =	simm.s32 @p1 $0x1  }
0x15: {  	[smem:$0x3FB5] =	sst s0;
	s0 =	simm.s32 @!p2 $0x0  }
0x16: {  	s3 =	sld [smem:$0x3FDB];
	s0 =	simm.s32 @p2 $0x1  }
0x17: {  	s4 =	simm.s32 $0x1BF5;
	[smem:$0x3FB7] =	sst s0  }
0x18: {  	s0 =	sld [smem:$0x3F9A];
	_ =	swait.ge [sflag:s4], $0x0  }
0x19: {  	s7 =	sld [smem:$0x3F9B]  }
0x1a: {  	s8 =	sadd.s32 $0xFFFFE003, lr  }
0x1b: {  	s9 =	sadd.s32 $0xFFFFFEF7, lr;
	s5 =	simm.s32 $0xFFFFFFFF;
	p2 =	slt.u32 s8, $0xFFFFF086  }
0x1c: {  	p1 =	slt.u32 s9, $0xF7A;
	s5 =	simm.s32 @!p2 $0x0  }
0x1d: {  	s5 =	simm.s32 @p1 $0x1;
	p0 =	seq.s32 s7, s2  }
0x1e: {  	s7 =	smul.u32 @!p0 $0xF7A, s2;
	p2 =	seq.s32 @!p0 s5, $0x0  }
0x1f: {  	s9 =	smul.u32 $0xF7A, s1;
	s8 =	simm.s32 @!p0 $0x1BF5;
	p2 =	por !p2, p0  }
0x20: {  	[sflag:s8] =	ssyncset.s32 @!p0 $0xFFFFF086;
	s6 =	sadd.s32 @!p0 s3, s7;
	s7 =	simm.s32 @!p0 $0x108  }
0x21: {  	s3 =	sadd.s32 s3, s9;
	s6 =	sadd.s32 @!p0 $0x88, s6;
	s7 =	simm.s32 @p2 $0x1082  }
0x22: {  	[simem:s7], [sflag:s8] =	dma.local @!p0 [hbm:s6], $0xF7A  }
0x23: {  	s9 =	sor.u32 $0xD0000000, s2;
	s6 =	simm.s32 $0x108;
	_ =	swait.ge @!p0 [sflag:s8], $0x0  }
0x24: {  	s3 =	sadd.s32 $0x88, s3;
	s6 =	simm.s32 @!p1 $0x1082;
	[sflag:s4] =	ssyncset.s32 $0xFFFFF086  }
0x25: {  	[simem:s6], [sflag:s4] =	dma.local [hbm:s3], $0xF7A  }
0x26: {  	[smem:$0x3F9B] =	sst s1;
	(tag) =	ssettag s2;
	_ =	strace s9  }
0x27: {  	s1 =	sld [smem:$0x3FAB]  }
0x28: {  	s2 =	sld [smem:$0x3FAC]  }
0x29: {  	s4 =	sld [smem:$0x3FAE]  }
0x2a: {  	p0 =	seq.s32 s5, $0x0;
	s5 =	sld [smem:$0x3FAF]  }
0x2b: {  	s6 =	sld [smem:$0x3FB0]  }
0x2c: {  	s7 =	sld [smem:$0x3FB1]  }
0x2d: {  	s3 =	simm.s32 $0x108;
	s8 =	sld [smem:$0x3FB2]  }
0x2e: {  	s3 =	simm.s32 @!p0 $0x1082;
	s9 =	sld [smem:$0x3FB3]  }
0x2f: {  	lr =	sadd.s32 s0, s3;
	s0 =	sld [smem:$0x3FAA]  }
0x30: {  	s3 =	sld [smem:$0x3FAD]  }
0x31: {  	[smem:$0x3FB6] =	sst s10  }
0x32: {  	s10 =	sld [smem:$0x3FB4];
	_ =	sdelay $0x3  }
0x33: {  	p0 =	seq.s32 s10, $0x1;
	s10 =	sld [smem:$0x3FB6];
	_ =	sdelay $0x3  }
0x34: {  	[smem:$0x3FB6] =	sst s10  }
0x35: {  	s10 =	sld [smem:$0x3FB5];
	_ =	sdelay $0x3  }
0x36: {  	p1 =	seq.s32 s10, $0x1;
	s10 =	sld [smem:$0x3FB6];
	_ =	sdelay $0x3  }
0x37: {  	[smem:$0x3FB6] =	sst s10  }
0x38: {  	s10 =	sld [smem:$0x3FB7]  }
0x39: {  	_ = 	snop;
	(pc) =	sbr.ind lr, $3  }
0x3a: {  	_ = 	snop  }
0x3b: {  	_ = 	snop  }
0x3c: {  	p2 =	seq.s32 s10, $0x1;
	s10 =	sld [smem:$0x3FB6]  }
0x3d: {  	_ =	shalt  }
0x3e: {  	_ =	shalt  }
0x3f: {  	_ =	shalt  }
0x40: {  	_ =	shalt  }
0x41: {  	_ =	shalt  }
0x42: {  	_ =	shalt  }
0x43: {  	_ =	shalt  }
0x44: {  	_ =	shalt  }
0x45: {  	_ =	shalt  }
0x46: {  	_ =	shalt  }
0x47: {  	_ =	shalt  }
0x48: {  	_ =	shalt  }
0x49: {  	_ =	shalt  }
0x4a: {  	_ =	shalt  }
0x4b: {  	_ =	shalt  }
0x4c: {  	_ =	shalt  }
0x4d: {  	_ =	shalt  }
0x4e: {  	_ =	shalt  }
0x4f: {  	_ =	shalt  }
0x50: {  	_ =	shalt  }
0x51: {  	_ =	shalt  }
0x52: {  	_ =	shalt  }
0x53: {  	_ =	shalt  }
0x54: {  	_ =	shalt  }
0x55: {  	_ =	shalt  }
0x56: {  	_ =	shalt  }
0x57: {  	_ =	shalt  }
0x58: {  	_ =	shalt  }
0x59: {  	_ =	shalt  }
0x5a: {  	_ =	shalt  }
0x5b: {  	_ =	shalt  }
0x5c: {  	_ =	shalt  }
0x5d: {  	_ =	shalt  }
0x5e: {  	_ =	shalt  }
0x5f: {  	_ =	shalt  }
0x60: {  	_ =	shalt  }
0x61: {  	_ =	shalt  }
0x62: {  	_ =	shalt  }
0x63: {  	_ =	shalt  }
0x64: {  	_ =	shalt  }
0x65: {  	_ =	shalt  }
0x66: {  	_ =	shalt  }
0x67: {  	_ =	shalt  }
0x68: {  	_ =	shalt  }
0x69: {  	_ =	shalt  }
0x6a: {  	_ =	shalt  }
0x6b: {  	_ =	shalt  }
0x6c: {  	_ =	shalt  }
0x6d: {  	_ =	shalt  }
0x6e: {  	_ =	shalt  }
0x6f: {  	_ =	shalt  }
0x70: {  	_ =	shalt  }
0x71: {  	_ =	shalt  }
0x72: {  	_ =	shalt  }
0x73: {  	_ =	shalt  }
0x74: {  	_ =	shalt  }
0x75: {  	_ =	shalt  }
0x76: {  	_ =	shalt  }
0x77: {  	_ =	shalt  }
0x78: {  	_ =	shalt  }
0x79: {  	_ =	shalt  }
0x7a: {  	_ =	shalt  }
0x7b: {  	_ =	shalt  }
0x7c: {  	_ =	shalt  }
0x7d: {  	_ =	shalt  }
0x7e: {  	_ =	shalt  }
0x7f: {  	_ =	shalt  }
0x80: {  	_ =	shalt  }
0x81: {  	_ =	shalt  }
0x82: {  	_ =	shalt  }
0x83: {  	_ =	shalt  }
0x84: {  	_ =	shalt  }
0x85: {  	_ =	shalt  }
0x86: {  	_ =	shalt  }
0x87: {  	_ =	shalt  }
.Lfunc_end0:
.L_simem_size_0:
called_computation.1_lowered:
.L_overlay_start_0:
0x88: {  	s2 =	sld [smem:$0x3FD9]  }
0x89: {  	s3 =	sld [smem:$0x3FFE];
	_ =	sdelay $0x1  }
0x8a: {  	s1 =	srdreg.scid  }
0x8b: {  	s0 =	sand.u32 $0x1, s1  }
0x8c: {  	s17 =	sshll.u32 s0, $0xA;
	s2 =	sadd.s32 s3, s2  }
0x8d: {  	s2 =	sadd.s32 s2, s17  }
0x8e: {  	[smem:$0x3FC2] =	sst s2  }
0x8f: {  	_ = 	snop  }
0x90: {  	s2 =	sld [smem:$0x3FD0];
	(tm) =	ssettm $0x1  }
0x91: {  	s18 =	sld [smem:$0x3FFB];
	_ =	sdelay $0x3  }
0x92: {  	_ =	strace s18  }
0x93: {  	s3 =	sld [smem:$0x3FFC];
	_ =	sdelay $0x3  }
0x94: {  	_ =	strace s3  }
0x95: {  	s3 =	sld [smem:$0x3FFD];
	_ =	sdelay $0x3  }
0x96: {  	_ =	strace s3  }
0x97: {  	_ =	strace $0x8FFFFFFF  }
0x98: {  	s19 =	sld [smem:$0x3FDB];
	_ =	sdelay $0x1  }
0x99: {  	s4 =	simm.s32 $_scs_section_size  }
0x9a: {  	s5 =	simm.s32 $_size__tile_overlayer_lowered;
	s6 =	simm.s32 $_tile_overlayer_lowered  }
0x9b: {  	s22 =	simm.s32 $0x1BFF;
	s21 =	sshll.u32 s6, $0x1;
	s3 =	sadd.s32 s4, s19  }
0x9c: {  	s7 =	simm.s32 $0x0;
	s20 =	sshll.u32 s5, $0x1;
	s5 =	sadd.s32 s21, s3  }
0x9d: {  	[timem:s7], [sflag:s22] =	dma.local [hbm:s5], s20  }
0x9e: {  	_ =	swait.ge [sflag:s22], s20  }
0x9f: {  	s4 =	ssub.s32 $0x0, s20;
	[sflag:s22] =	ssyncset.done $0x0  }
0xa0: {  	[sflag:s22] =	ssyncadd.s32 s4;
	_ =	sdelay $0x1  }
0xa1: {  	s23 =	simm.s32 $0x1B8B  }
0xa2: {  	_ =	swait.ge [sflag:s23], $0x1  }
0xa3: {  	[sflag:s23] =	ssyncset.done $0x0  }
0xa4: {  	s25 =	simm.s32 $0x1B8E;
	s24 =	sld [smem:$0x3FFE];
	[sflag:s23] =	ssyncadd.s32 $0xFFFFFFFF  }
0xa5: {  	s26 =	simm.s32 $execute0_lowered;
	[smem:$0x3FD2] =	sst s25  }
0xa6: {  	s5 =	sshll.u32 s26, $0x1;
	_ =	strace $0x80000049;
	[dreg:$0x1] =	wrdreg $0xFFFFFFFF  }
0xa7: {  	s28 =	simm.s32 $_size_execute0_lowered;
	s3 =	sadd.s32 s3, s5;
	[dreg:$0x0] =	wrdreg $0x0  }
0xa8: {  	s5 =	sshll.u32 s28, $0x1;
	[dreg:$0x2] =	wrdreg s3  }
0xa9: {  	[dreg:$0x3] =	wrdreg s5  }
0xaa: {  	[dreg:$0x4] =	wrdreg $0xC0  }
0xab: {  	_ =	task [dreg:s7], $0x5FFFF  }
0xac: {  	[dreg:$0x1] =	wrdreg $0xFFFFFFFF  }
0xad: {  	[dreg:$0x0] =	wrdreg $0x60  }
0xae: {  	[dreg:$0x2] =	wrdreg s2  }
0xaf: {  	[dreg:$0x3] =	wrdreg s24  }
0xb0: {  	[dreg:$0x4] =	wrdreg $0xA8000  }
0xb1: {  	[dreg:$0x5] =	wrdreg $0x9  }
0xb2: {  	_ =	task.clear_ibuf [dreg:s7], $0x6FFFF;
	_ =	strace $0x90000049  }
0xb3: {  	s29 =	simm.s32 $0x9;
	_ =	strace $0x8000004B  }
0xb4: {  	_ =	swait.ge [sflag:s29], $0x1  }
0xb5: {  	[sflag:s29] =	ssyncadd.s32 $0xFFFFFFFF  }
0xb6: {  	_ =	strace $0x9000004B  }
0xb7: {  	_ =	sfence  }
0xb8: {  	s30 =	sld [smem:$0x0];
	_ =	sdelay $0x2  }
0xb9: {  	s31 =	sshll.u32 s1, $0xD;
	s1 =	sshrl.u32 s1, $0x2  }
0xba: {  	s3 =	sand.u32 $0x4000, s31;
	s1 =	sadd.s32 s1, s30  }
0xbb: {  	s0 =	sor.u32 s3, s0;
	s1 =	sshll.u32 s1, $0x11  }
0xbc: {  	s0 =	sor.u32 s1, s0  }
0xbd: {  	s0 =	sadd.s32 $0x8F2B, s0  }
0xbe: {  	[sflag:s0] =	ssyncadd.remote.s32 $0x1  }
0xbf: {  	_ =	sfence.sel $0xFFFF  }
0xc0: {  	[dreg:$0x0] =	wrdreg $0xFFFFFFFF;
	(pc) =	sbr.abs _section_cstart, $3  }
0xc1: {  	[dreg:$0x1] =	wrdreg $0xFFFFFFFF  }
0xc2: {  	_ =	task.clear_ibuf [dreg:s7], $0x2FFFF;
	_ =	strace $0x9FFFFFFF  }
0xc3: {  	(tm) =	ssettm $0x7FFFFFFF  }
tec
execute0_lowered:
.L_overlay_start_1:
0x0: {  	(tag) =	ssettag $0x1  }
0x1: {  	s2 =	rddreg [dreg:$0x0]  }
0x2: {  	s0 =	rddreg [dreg:$0x1]  }
0x3: {  	s3 =	rddreg [dreg:$0x2]  }
0x4: {  	s13 =	stileid.u32;
	s1 =	srdreg.scid  }
0x5: {  	s4 =	simm.s32 $0x0;
	s14 =	simm.s32 $0x3;
	s16 =	simm.s32 $0x20  }
0x6: {  	s17 =	simm.s32 $0x2800;
	s28 =	simm.s32 $0xC0;
	s29 =	simm.s32 $0x8800  }
0x7: {  	s30 =	simm.s32 $0xE0;
	s31 =	simm.s32 $0x9800;
	s5 =	smul.u32 $0x2780, s13  }
0x8: {  	s1 =	sand.u32 $0x1, s1;
	[smem:$0x7FF] =	sst s4;
	s7 =	sadd.s32 $0xD600, s0  }
0x9: {  	s8 =	sadd.s32 $0x3600, s0;
	s11 =	sshll.u32 s13, $0x1;
	s12 =	smul.u32 $0x4F000, s13  }
0xa: {  	s21 =	sshll.u32 s13, $0x6;
	s6 =	smul.u32 $0x27800, s1;
	_ =	strace $0x8000004A  }
0xb: {  	s18 =	ssub.s32 $0x2, s1;
	s1 =	sor.u32 s1, s11;
	s9 =	sadd.s32 s5, s0  }
0xc: {  	s10 =	sshrl.u32 s18, $0x1;
	s20 =	sshrl.u32 s12, $0x2;
	s1 =	smul.u32 $0x500, s1  }
0xd: {  	s5 =	sadd.s32 s5, s6;
	s19 =	ssub.s32 s18, s10;
	s22 =	sadd.s32 s20, s3  }
0xe: {  	s23 =	sadd.s32 $0x65A00, s9;
	s6 =	sor.u32 $0x1C03, s21;
	s18 =	simm.s32 $0x3800  }
0xf: {  	s20 =	simm.s32 $0x4800;
	s21 =	simm.s32 $0x60;
	s0 =	sadd.s32 s5, s0  }
0x10: {  	[dreg:$0x4] =	wrdreg s23;
	s24 =	smax.u32 s19, $0x1;
	s25 =	sadd.s32 $0x280, s1  }
0x11: {  	s26 =	sadd.s32 s7, s1;
	s1 =	sadd.s32 s8, s1;
	s13 =	sshrl.u32 s22, $0x3  }
0x12: {  	s19 =	simm.s32 $0x40;
	s22 =	simm.s32 $0x5800;
	[dreg:$0x6] =	wrdreg s24  }
0x13: {  	s23 =	simm.s32 $0x80;
	s5 =	simm.s32 $0x2700;
	[dreg:$0x7] =	wrdreg s26  }
0x14: {  	s0 =	sadd.s32 $0x8D200, s0;
	[dreg:$0x8] =	wrdreg s1;
	s11 =	sadd.s32 s7, s25  }
0x15: {  	s12 =	sadd.s32 s8, s25;
	s24 =	simm.s32 $0x6800;
	s25 =	simm.s32 $0xA0  }
0x16: {  	s26 =	simm.s32 $0x7800;
	s1 =	simm.s32 $0x2;
	s7 =	simm.s32 $0x2780  }
0x17: {  	s8 =	simm.s32 $0x0;
	[dreg:$0x5] =	wrdreg s0;
	s0 =	simm.s32 $0x1  }
.LBB2_1:
0x18: {  	s9 =	rddreg [dreg:$0x4]  }
0x19: {  	[spmem:s13], [sflag:s6] =	dma.local [hbm:s9], $0x2780  }
0x1a: {  	_ =	swait.ge [sflag:s14], $0x2780  }
0x1b: {  	[sflag:s14] =	ssyncset.done $0x0  }
0x1c: {  	[sflag:s14] =	ssyncadd.s32 $0xFFFFD880  }
0x1d: {  	[bflag:$0x0] =	sbarrier.arrive $0xFFFF  }
0x1e: {  	s10 =	rddreg [dreg:$0x7]  }
0x1f: {  	[tilespmem:s4], [sflag:$0x3] =	stream.linear.gather [hbm4b:s10+s4], $0x1400, $0x38;
	[tilespmem:$0x1E400] =	vst v63  }
0x20: {  	_ =	swait.ge [sflag:s14], $0x1400  }
0x21: {  	[sflag:s14] =	ssyncset.done $0x0  }
0x22: {  	s10 =	simm.s32 $0x1400;
	s15 =	rddreg [dreg:$0x8];
	[sflag:s14] =	ssyncadd.s32 $0xFFFFEC00  }
0x23: {  	[tilespmem:s10], [sflag:$0x3] =	stream.linear.gather [hbm4b:s15+s4], $0x1400, $0x38;
	[tilespmem:$0x1E400] =	vst v63  }
0x24: {  	_ =	swait.ge [sflag:s14], $0x1400  }
0x25: {  	[sflag:s14] =	ssyncset.done $0x0  }
0x26: {  	[sflag:s14] =	ssyncadd.s32 $0xFFFFEC00  }
0x27: {  	[tilespmem:s17], [sflag:$0x1] =	stream.indirect.gather [hbm4b:s2+s16], $0x80, s4, s16, $0xb8;
	[tilespmem:$0x1E400] =	vst v63  }
0x28: {  	_ = 	snop  }
0x29: {  	[tilespmem:s18], [sflag:$0x1] =	stream.indirect.gather [hbm4b:s2+s16], $0x80, s16, s16, $0xb8;
	[tilespmem:$0x1E400] =	vst v63  }
0x2a: {  	_ = 	snop  }
0x2b: {  	[tilespmem:s20], [sflag:$0x1] =	stream.indirect.gather [hbm4b:s2+s16], $0x80, s19, s16, $0xb8;
	[tilespmem:$0x1E400] =	vst v63  }
0x2c: {  	_ = 	snop  }
0x2d: {  	[tilespmem:s22], [sflag:$0x1] =	stream.indirect.gather [hbm4b:s2+s16], $0x80, s21, s16, $0xb8;
	[tilespmem:$0x1E400] =	vst v63  }
0x2e: {  	_ = 	snop  }
0x2f: {  	[tilespmem:s24], [sflag:$0x2] =	stream.indirect.gather [hbm4b:s2+s16], $0x80, s23, s16, $0xb8;
	[tilespmem:$0x1E400] =	vst v63  }
0x30: {  	_ = 	snop  }
0x31: {  	[tilespmem:s26], [sflag:$0x2] =	stream.indirect.gather [hbm4b:s2+s16], $0x80, s25, s16, $0xb8;
	[tilespmem:$0x1E400] =	vst v63  }
0x32: {  	_ = 	snop  }
0x33: {  	[tilespmem:s29], [sflag:$0x2] =	stream.indirect.gather [hbm4b:s2+s16], $0x80, s28, s16, $0xb8;
	[tilespmem:$0x1E400] =	vst v63  }
0x34: {  	_ = 	snop  }
0x35: {  	[tilespmem:s31], [sflag:$0x2] =	stream.indirect.gather [hbm4b:s2+s16], $0x80, s30, s16, $0xb8;
	[tilespmem:$0x1E400] =	vst v63  }
0x36: {  	_ =	swait.ge [sflag:s0], $0x4000  }
0x37: {  	[sflag:s0] =	ssyncset.done $0x0  }
0x38: {  	s15 =	simm.s32 $0x1400;
	[sflag:s0] =	ssyncadd.s32 $0xFFFFC000  }
0x39: {  	[spmem:s3] =	stream.indirect.scatter.add.f32 [tilespmem:s17], [sflag:$0x3], $0x80, s15, s23, $0xb8;
	[tilespmem:$0x1E400] =	vst v63  }
0x3a: {  	_ =	swait.ge [sflag:s14], $0x4000  }
0x3b: {  	[sflag:s14] =	ssyncset.done $0x0  }
0x3c: {  	s10 =	simm.s32 $0x100;
	[sflag:s14] =	ssyncadd.s32 $0xFFFFC000  }
0x3d: {  	[tilespmem:s17], [sflag:$0x1] =	stream.indirect.gather [hbm4b:s2+s16], $0x80, s10, s16, $0xb8;
	[tilespmem:$0x1E400] =	vst v63  }
0x3e: {  	s15 =	simm.s32 $0x120  }
0x3f: {  	[tilespmem:s18], [sflag:$0x1] =	stream.indirect.gather [hbm4b:s2+s16], $0x80, s15, s16, $0xb8;
	[tilespmem:$0x1E400] =	vst v63  }
0x40: {  	s10 =	simm.s32 $0x140  }
0x41: {  	[tilespmem:s20], [sflag:$0x1] =	stream.indirect.gather [hbm4b:s2+s16], $0x80, s10, s16, $0xb8;
	[tilespmem:$0x1E400] =	vst v63  }
0x42: {  	s15 =	simm.s32 $0x160  }
0x43: {  	[tilespmem:s22], [sflag:$0x1] =	stream.indirect.gather [hbm4b:s2+s16], $0x80, s15, s16, $0xb8;
	[tilespmem:$0x1E400] =	vst v63  }
0x44: {  	_ =	swait.ge [sflag:s1], $0x4000  }
0x45: {  	[sflag:s1] =	ssyncset.done $0x0  }
0x46: {  	s10 =	simm.s32 $0x1480;
	[sflag:s1] =	ssyncadd.s32 $0xFFFFC000  }
0x47: {  	[spmem:s3] =	stream.indirect.scatter.add.f32 [tilespmem:s24], [sflag:$0x3], $0x80, s10, s23, $0xb8;
	[tilespmem:$0x1E400] =	vst v63  }
0x48: {  	_ =	swait.ge [sflag:s14], $0x4000  }
0x49: {  	[sflag:s14] =	ssyncset.done $0x0  }
0x4a: {  	s15 =	simm.s32 $0x180;
	[sflag:s14] =	ssyncadd.s32 $0xFFFFC000  }
0x4b: {  	[tilespmem:s24], [sflag:$0x2] =	stream.indirect.gather [hbm4b:s2+s16], $0x80, s15, s16, $0xb8;
	[tilespmem:$0x1E400] =	vst v63  }
0x4c: {  	s10 =	simm.s32 $0x1A0  }
0x4d: {  	[tilespmem:s26], [sflag:$0x2] =	stream.indirect.gather [hbm4b:s2+s16], $0x80, s10, s16, $0xb8;
	[tilespmem:$0x1E400] =	vst v63  }
0x4e: {  	s9 =	simm.s32 $0x400;
	s15 =	simm.s32 $0x1C0;
	s10 =	simm.s32 $0x1E0  }
0x4f: {  	[tilespmem:s29], [sflag:$0x2] =	stream.indirect.gather [hbm4b:s2+s16], $0x80, s15, s16, $0xb8;
	[tilespmem:$0x1E400] =	vst v63  }
.LBB2_2:
0x50: {  	[tilespmem:s31], [sflag:$0x2] =	stream.indirect.gather [hbm4b:s2+s16], $0x80, s10, s16, $0xb8;
	[tilespmem:$0x1E400] =	vst v63  }
0x51: {  	s10 =	smov.u32 s9  }
0x52: {  	p0 =	sne.s32 s9, $0x4800;
	s9 =	sadd.s32 $0x400, s9;
	_ =	swait.ge [sflag:s0], $0x4000  }
0x53: {  	s10 =	sshra.s32 s10, $0x2;
	[sflag:s0] =	ssyncset.done $0x0  }
0x54: {  	s15 =	sadd.s32 $0x1400, s10;
	[sflag:s0] =	ssyncadd.s32 $0xFFFFC000  }
0x55: {  	[spmem:s3] =	stream.indirect.scatter.add.f32 [tilespmem:s17], [sflag:$0x3], $0x80, s15, s23, $0xb8;
	[tilespmem:$0x1E400] =	vst v63  }
0x56: {  	_ =	swait.ge [sflag:s14], $0x4000  }
0x57: {  	[sflag:s14] =	ssyncset.done $0x0  }
0x58: {  	s15 =	sadd.s32 $0x100, s10;
	[sflag:s14] =	ssyncadd.s32 $0xFFFFC000  }
0x59: {  	[tilespmem:s17], [sflag:$0x1] =	stream.indirect.gather [hbm4b:s2+s16], $0x80, s15, s16, $0xb8;
	[tilespmem:$0x1E400] =	vst v63  }
0x5a: {  	s15 =	sadd.s32 $0x120, s10  }
0x5b: {  	[tilespmem:s18], [sflag:$0x1] =	stream.indirect.gather [hbm4b:s2+s16], $0x80, s15, s16, $0xb8;
	[tilespmem:$0x1E400] =	vst v63  }
0x5c: {  	s15 =	sadd.s32 $0x140, s10  }
0x5d: {  	[tilespmem:s20], [sflag:$0x1] =	stream.indirect.gather [hbm4b:s2+s16], $0x80, s15, s16, $0xb8;
	[tilespmem:$0x1E400] =	vst v63  }
0x5e: {  	s15 =	sadd.s32 $0x160, s10  }
0x5f: {  	[tilespmem:s22], [sflag:$0x1] =	stream.indirect.gather [hbm4b:s2+s16], $0x80, s15, s16, $0xb8;
	[tilespmem:$0x1E400] =	vst v63  }
0x60: {  	_ =	swait.ge [sflag:s1], $0x4000  }
0x61: {  	[sflag:s1] =	ssyncset.done $0x0  }
0x62: {  	s15 =	sadd.s32 $0x1480, s10;
	[sflag:s1] =	ssyncadd.s32 $0xFFFFC000  }
0x63: {  	[spmem:s3] =	stream.indirect.scatter.add.f32 [tilespmem:s24], [sflag:$0x3], $0x80, s15, s23, $0xb8;
	[tilespmem:$0x1E400] =	vst v63  }
0x64: {  	_ =	swait.ge [sflag:s14], $0x4000  }
0x65: {  	[sflag:s14] =	ssyncset.done $0x0  }
0x66: {  	s15 =	sadd.s32 $0x180, s10;
	[sflag:s14] =	ssyncadd.s32 $0xFFFFC000  }
0x67: {  	[tilespmem:s24], [sflag:$0x2] =	stream.indirect.gather [hbm4b:s2+s16], $0x80, s15, s16, $0xb8;
	[tilespmem:$0x1E400] =	vst v63  }
.Ltmp0:
0x68: {  	s15 =	sadd.s32 $0x1A0, s10;
	(pc) =	sbr.rel @p0 .LBB2_2-.Ltmp0, $4  }
0x69: {  	[tilespmem:s26], [sflag:$0x2] =	stream.indirect.gather [hbm4b:s2+s16], $0x80, s15, s16, $0xb8;
	[tilespmem:$0x1E400] =	vst v63  }
0x6a: {  	s15 =	sadd.s32 $0x1C0, s10  }
0x6b: {  	[tilespmem:s29], [sflag:$0x2] =	stream.indirect.gather [hbm4b:s2+s16], $0x80, s15, s16, $0xb8;
	[tilespmem:$0x1E400] =	vst v63  }
0x6c: {  	s10 =	sadd.s32 $0x1E0, s10  }
0x6d: {  	[tilespmem:s31], [sflag:$0x2] =	stream.indirect.gather [hbm4b:s2+s16], $0x80, s10, s16, $0xb8;
	[tilespmem:$0x1E400] =	vst v63  }
0x6e: {  	_ =	swait.ge [sflag:s0], $0x4000  }
0x6f: {  	[sflag:s0] =	ssyncset.done $0x0  }
0x70: {  	[sflag:s0] =	ssyncadd.s32 $0xFFFFC000  }
0x71: {  	[spmem:s3] =	stream.indirect.scatter.add.f32 [tilespmem:s17], [sflag:$0x3], $0x80, s5, s23, $0xb8;
	[tilespmem:$0x1E400] =	vst v63  }
0x72: {  	_ =	swait.ge [sflag:s14], $0x4000  }
0x73: {  	[sflag:s14] =	ssyncset.done $0x0  }
0x74: {  	[sflag:s14] =	ssyncadd.s32 $0xFFFFC000  }
0x75: {  	_ =	swait.ge [sflag:s1], $0x4000  }
0x76: {  	[sflag:s1] =	ssyncset.done $0x0  }
0x77: {  	[sflag:s1] =	ssyncadd.s32 $0xFFFFC000  }
0x78: {  	[spmem:s3] =	stream.indirect.scatter.add.f32 [tilespmem:s24], [sflag:$0x3], $0x80, s7, s23, $0xb8;
	[tilespmem:$0x1E400] =	vst v63  }
0x79: {  	_ =	swait.ge [sflag:s14], $0x4000  }
0x7a: {  	[sflag:s14] =	ssyncset.done $0x0  }
0x7b: {  	s9 =	simm.s32 $0x0;
	[sflag:s14] =	ssyncadd.s32 $0xFFFFC000  }
0x7c: {  	[tilespmem:s9], [sflag:$0x3] =	stream.linear.gather [hbm4b:s11+s9], $0x1400, $0x38;
	[tilespmem:$0x1E400] =	vst v63  }
0x7d: {  	_ =	swait.ge [sflag:s14], $0x1400  }
0x7e: {  	[sflag:s14] =	ssyncset.done $0x0  }
0x7f: {  	s15 =	simm.s32 $0x1400;
	[sflag:s14] =	ssyncadd.s32 $0xFFFFEC00  }
0x80: {  	[tilespmem:s15], [sflag:$0x3] =	stream.linear.gather [hbm4b:s12+s9], $0x1400, $0x38;
	[tilespmem:$0x1E400] =	vst v63  }
0x81: {  	_ =	swait.ge [sflag:s14], $0x1400  }
0x82: {  	[sflag:s14] =	ssyncset.done $0x0  }
0x83: {  	[sflag:s14] =	ssyncadd.s32 $0xFFFFEC00  }
0x84: {  	[tilespmem:s17], [sflag:$0x1] =	stream.indirect.gather [hbm4b:s2+s16], $0x80, s9, s16, $0xb8;
	[tilespmem:$0x1E400] =	vst v63  }
0x85: {  	_ = 	snop  }
0x86: {  	[tilespmem:s18], [sflag:$0x1] =	stream.indirect.gather [hbm4b:s2+s16], $0x80, s16, s16, $0xb8;
	[tilespmem:$0x1E400] =	vst v63  }
0x87: {  	_ = 	snop  }
0x88: {  	[tilespmem:s20], [sflag:$0x1] =	stream.indirect.gather [hbm4b:s2+s16], $0x80, s19, s16, $0xb8;
	[tilespmem:$0x1E400] =	vst v63  }
0x89: {  	_ = 	snop  }
0x8a: {  	[tilespmem:s22], [sflag:$0x1] =	stream.indirect.gather [hbm4b:s2+s16], $0x80, s21, s16, $0xb8;
	[tilespmem:$0x1E400] =	vst v63  }
0x8b: {  	_ = 	snop  }
0x8c: {  	[tilespmem:s24], [sflag:$0x2] =	stream.indirect.gather [hbm4b:s2+s16], $0x80, s23, s16, $0xb8;
	[tilespmem:$0x1E400] =	vst v63  }
0x8d: {  	_ = 	snop  }
0x8e: {  	[tilespmem:s26], [sflag:$0x2] =	stream.indirect.gather [hbm4b:s2+s16], $0x80, s25, s16, $0xb8;
	[tilespmem:$0x1E400] =	vst v63  }
0x8f: {  	_ = 	snop  }
0x90: {  	[tilespmem:s29], [sflag:$0x2] =	stream.indirect.gather [hbm4b:s2+s16], $0x80, s28, s16, $0xb8;
	[tilespmem:$0x1E400] =	vst v63  }
0x91: {  	_ = 	snop  }
0x92: {  	[tilespmem:s31], [sflag:$0x2] =	stream.indirect.gather [hbm4b:s2+s16], $0x80, s30, s16, $0xb8;
	[tilespmem:$0x1E400] =	vst v63  }
0x93: {  	_ =	swait.ge [sflag:s0], $0x4000  }
0x94: {  	[sflag:s0] =	ssyncset.done $0x0  }
0x95: {  	s15 =	simm.s32 $0x1400;
	[sflag:s0] =	ssyncadd.s32 $0xFFFFC000  }
0x96: {  	[spmem:s3] =	stream.indirect.scatter.add.f32 [tilespmem:s17], [sflag:$0x3], $0x80, s15, s23, $0xb8;
	[tilespmem:$0x1E400] =	vst v63  }
0x97: {  	_ =	swait.ge [sflag:s14], $0x4000  }
0x98: {  	[sflag:s14] =	ssyncset.done $0x0  }
0x99: {  	s10 =	simm.s32 $0x100;
	[sflag:s14] =	ssyncadd.s32 $0xFFFFC000  }
0x9a: {  	[tilespmem:s17], [sflag:$0x1] =	stream.indirect.gather [hbm4b:s2+s16], $0x80, s10, s16, $0xb8;
	[tilespmem:$0x1E400] =	vst v63  }
0x9b: {  	s15 =	simm.s32 $0x120  }
0x9c: {  	[tilespmem:s18], [sflag:$0x1] =	stream.indirect.gather [hbm4b:s2+s16], $0x80, s15, s16, $0xb8;
	[tilespmem:$0x1E400] =	vst v63  }
0x9d: {  	s10 =	simm.s32 $0x140  }
0x9e: {  	[tilespmem:s20], [sflag:$0x1] =	stream.indirect.gather [hbm4b:s2+s16], $0x80, s10, s16, $0xb8;
	[tilespmem:$0x1E400] =	vst v63  }
0x9f: {  	s15 =	simm.s32 $0x160  }
0xa0: {  	[tilespmem:s22], [sflag:$0x1] =	stream.indirect.gather [hbm4b:s2+s16], $0x80, s15, s16, $0xb8;
	[tilespmem:$0x1E400] =	vst v63  }
0xa1: {  	_ =	swait.ge [sflag:s1], $0x4000  }
0xa2: {  	[sflag:s1] =	ssyncset.done $0x0  }
0xa3: {  	s10 =	simm.s32 $0x1480;
	[sflag:s1] =	ssyncadd.s32 $0xFFFFC000  }
0xa4: {  	[spmem:s3] =	stream.indirect.scatter.add.f32 [tilespmem:s24], [sflag:$0x3], $0x80, s10, s23, $0xb8;
	[tilespmem:$0x1E400] =	vst v63  }
0xa5: {  	_ =	swait.ge [sflag:s14], $0x4000  }
0xa6: {  	[sflag:s14] =	ssyncset.done $0x0  }
0xa7: {  	s15 =	simm.s32 $0x180;
	[sflag:s14] =	ssyncadd.s32 $0xFFFFC000  }
0xa8: {  	[tilespmem:s24], [sflag:$0x2] =	stream.indirect.gather [hbm4b:s2+s16], $0x80, s15, s16, $0xb8;
	[tilespmem:$0x1E400] =	vst v63  }
0xa9: {  	s10 =	simm.s32 $0x1A0  }
0xaa: {  	[tilespmem:s26], [sflag:$0x2] =	stream.indirect.gather [hbm4b:s2+s16], $0x80, s10, s16, $0xb8;
	[tilespmem:$0x1E400] =	vst v63  }
0xab: {  	s9 =	simm.s32 $0x400;
	s15 =	simm.s32 $0x1C0;
	s10 =	simm.s32 $0x1E0  }
0xac: {  	[tilespmem:s29], [sflag:$0x2] =	stream.indirect.gather [hbm4b:s2+s16], $0x80, s15, s16, $0xb8;
	[tilespmem:$0x1E400] =	vst v63  }
.LBB2_4:
0xad: {  	[tilespmem:s31], [sflag:$0x2] =	stream.indirect.gather [hbm4b:s2+s16], $0x80, s10, s16, $0xb8;
	[tilespmem:$0x1E400] =	vst v63  }
0xae: {  	s10 =	smov.u32 s9  }
0xaf: {  	p0 =	sne.s32 s9, $0x4800;
	s9 =	sadd.s32 $0x400, s9;
	_ =	swait.ge [sflag:s0], $0x4000  }
0xb0: {  	s10 =	sshra.s32 s10, $0x2;
	[sflag:s0] =	ssyncset.done $0x0  }
0xb1: {  	s15 =	sadd.s32 $0x1400, s10;
	[sflag:s0] =	ssyncadd.s32 $0xFFFFC000  }
0xb2: {  	[spmem:s3] =	stream.indirect.scatter.add.f32 [tilespmem:s17], [sflag:$0x3], $0x80, s15, s23, $0xb8;
	[tilespmem:$0x1E400] =	vst v63  }
0xb3: {  	_ =	swait.ge [sflag:s14], $0x4000  }
0xb4: {  	[sflag:s14] =	ssyncset.done $0x0  }
0xb5: {  	s15 =	sadd.s32 $0x100, s10;
	[sflag:s14] =	ssyncadd.s32 $0xFFFFC000  }
0xb6: {  	[tilespmem:s17], [sflag:$0x1] =	stream.indirect.gather [hbm4b:s2+s16], $0x80, s15, s16, $0xb8;
	[tilespmem:$0x1E400] =	vst v63  }
0xb7: {  	s15 =	sadd.s32 $0x120, s10  }
0xb8: {  	[tilespmem:s18], [sflag:$0x1] =	stream.indirect.gather [hbm4b:s2+s16], $0x80, s15, s16, $0xb8;
	[tilespmem:$0x1E400] =	vst v63  }
0xb9: {  	s15 =	sadd.s32 $0x140, s10  }
0xba: {  	[tilespmem:s20], [sflag:$0x1] =	stream.indirect.gather [hbm4b:s2+s16], $0x80, s15, s16, $0xb8;
	[tilespmem:$0x1E400] =	vst v63  }
0xbb: {  	s15 =	sadd.s32 $0x160, s10  }
0xbc: {  	[tilespmem:s22], [sflag:$0x1] =	stream.indirect.gather [hbm4b:s2+s16], $0x80, s15, s16, $0xb8;
	[tilespmem:$0x1E400] =	vst v63  }
0xbd: {  	_ =	swait.ge [sflag:s1], $0x4000  }
0xbe: {  	[sflag:s1] =	ssyncset.done $0x0  }
0xbf: {  	s15 =	sadd.s32 $0x1480, s10;
	[sflag:s1] =	ssyncadd.s32 $0xFFFFC000  }
0xc0: {  	[spmem:s3] =	stream.indirect.scatter.add.f32 [tilespmem:s24], [sflag:$0x3], $0x80, s15, s23, $0xb8;
	[tilespmem:$0x1E400] =	vst v63  }
0xc1: {  	_ =	swait.ge [sflag:s14], $0x4000  }
0xc2: {  	[sflag:s14] =	ssyncset.done $0x0  }
0xc3: {  	s15 =	sadd.s32 $0x180, s10;
	[sflag:s14] =	ssyncadd.s32 $0xFFFFC000  }
0xc4: {  	[tilespmem:s24], [sflag:$0x2] =	stream.indirect.gather [hbm4b:s2+s16], $0x80, s15, s16, $0xb8;
	[tilespmem:$0x1E400] =	vst v63  }
.Ltmp1:
0xc5: {  	s15 =	sadd.s32 $0x1A0, s10;
	(pc) =	sbr.rel @p0 .LBB2_4-.Ltmp1, $4  }
0xc6: {  	[tilespmem:s26], [sflag:$0x2] =	stream.indirect.gather [hbm4b:s2+s16], $0x80, s15, s16, $0xb8;
	[tilespmem:$0x1E400] =	vst v63  }
0xc7: {  	s15 =	sadd.s32 $0x1C0, s10  }
0xc8: {  	[tilespmem:s29], [sflag:$0x2] =	stream.indirect.gather [hbm4b:s2+s16], $0x80, s15, s16, $0xb8;
	[tilespmem:$0x1E400] =	vst v63  }
0xc9: {  	s10 =	sadd.s32 $0x1E0, s10  }
0xca: {  	[tilespmem:s31], [sflag:$0x2] =	stream.indirect.gather [hbm4b:s2+s16], $0x80, s10, s16, $0xb8;
	[tilespmem:$0x1E400] =	vst v63  }
0xcb: {  	_ =	swait.ge [sflag:s0], $0x4000  }
0xcc: {  	[sflag:s0] =	ssyncset.done $0x0  }
0xcd: {  	[sflag:s0] =	ssyncadd.s32 $0xFFFFC000  }
0xce: {  	[spmem:s3] =	stream.indirect.scatter.add.f32 [tilespmem:s17], [sflag:$0x3], $0x80, s5, s23, $0xb8;
	[tilespmem:$0x1E400] =	vst v63  }
0xcf: {  	_ =	swait.ge [sflag:s14], $0x4000  }
0xd0: {  	[sflag:s14] =	ssyncset.done $0x0  }
0xd1: {  	[sflag:s14] =	ssyncadd.s32 $0xFFFFC000  }
0xd2: {  	_ =	swait.ge [sflag:s1], $0x4000  }
0xd3: {  	[sflag:s1] =	ssyncset.done $0x0  }
0xd4: {  	[sflag:s1] =	ssyncadd.s32 $0xFFFFC000  }
0xd5: {  	[spmem:s3] =	stream.indirect.scatter.add.f32 [tilespmem:s24], [sflag:$0x3], $0x80, s7, s23, $0xb8;
	[tilespmem:$0x1E400] =	vst v63  }
0xd6: {  	_ =	swait.ge [sflag:s14], $0x4000  }
0xd7: {  	[sflag:s14] =	ssyncset.done $0x0  }
0xd8: {  	[sflag:s14] =	ssyncadd.s32 $0xFFFFC000  }
0xd9: {  	[bflag:$0x0] =	sbarrier.arrive $0xFFFF  }
0xda: {  	s9 =	rddreg [dreg:$0x5]  }
0xdb: {  	[hbm:s9], [sflag:s6] =	dma.local [spmem:s13], $0x2780  }
0xdc: {  	_ =	swait.ge [sflag:s14], $0x2780  }
0xdd: {  	s8 =	sadd.s32 $0x1, s8;
	s15 =	rddreg [dreg:$0x6]  }
0xde: {  	p0 =	sne.s32 s8, s15  }
.Ltmp2:
0xdf: {  	_ = 	snop;
	(pc) =	sbr.rel @p0 .LBB2_1-.Ltmp2, $3  }
0xe0: {  	_ =	sdelay $0x1  }
0xe1: {  	[sflag:s14] =	ssyncset.done $0x0  }
0xe2: {  	[sflag:s14] =	ssyncadd.s32 $0xFFFFD880  }
0xe3: {  	_ =	sfence.sel $0x180000  }
0xe4: {  	[bflag:$0x0] =	sbarrier.arrive $0xFFFF  }
0xe5: {  	_ =	strace $0x9000004A  }
0xe6: {  	s0 =	stileid.u32;
	[bflag:$0x2] =	sbarrier.arrive $0xFFFF  }
0xe7: {  	p0 =	sne.s32 s0, $0x0;
	s0 =	rddreg [dreg:$0x3]  }
0xe8: {  	s0 =	sadd.s32 @!p0 $0x100000, s0  }
0xe9: {  	[sflag:s0] =	ssyncadd.tile.s32 @!p0 $0x1;
	_ =	shalt  }
.Lfunc_end2:
_tile_overlayer_lowered:
.L_overlay_start_2:
0xea: {  	(tag) =	ssettag $0x2  }
0xeb: {  	s0 =	rddreg [dreg:$0x0];
	s2 =	stileid.u32  }
0xec: {  	s1 =	rddreg [dreg:$0x1];
	p0 =	sne.s32 s2, $0x0  }
0xed: {  	s3 =	rddreg [dreg:$0x2];
	[bflag:$0x3] =	sbarrier.arrive $0xFFFF;
	s2 =	simm.s32 @!p0 $0x1C03  }
0xee: {  	[timem:s3], [sflag:s2] =	dma.local @!p0 [hbm:s0], s1  }
0xef: {  	s0 =	simm.s32 @!p0 $0x3  }
0xf0: {  	_ =	swait.ge @!p0 [sflag:s0], s1  }
0xf1: {  	s1 =	ssub.s32 @!p0 $0x0, s1;
	[sflag:s0] =	ssyncset.done @!p0 $0x0  }
0xf2: {  	[sflag:s0] =	ssyncadd.s32 @!p0 s1  }
0xf3: {  	[bflag:$0x3] =	sbarrier.arrive $0xFFFF  }
0xf4: {  	_ =	shalt  }

// kernel: kernel.15.cloned.1.call-start
scs
__scs_entry_jumppad:
0x0: {  	(pc) =	sbr.rel $0x88, $3  }
0x1: {  	(tag) =	ssettag $0x0;
	lr =	simm.s32 $0x1  }
0x2: {  	[smem:$0x3F9B] =	sst lr;
	_ =	strace $0xD0000000  }
0x3: {  	_ = 	snop  }
0x4: {  	_ = 	snop  }
0x5: {  	_ = 	snop  }
0x6: {  	_ = 	snop  }
0x7: {  	_ = 	snop  }
__scs_overlays_trampoline_lowered:
0x8: {  	[smem:$0x3FAA] =	sst s0  }
0x9: {  	[smem:$0x3FAB] =	sst s1  }
0xa: {  	[smem:$0x3FAC] =	sst s2  }
0xb: {  	[smem:$0x3FAD] =	sst s3  }
0xc: {  	[smem:$0x3FAE] =	sst s4  }
0xd: {  	[smem:$0x3FAF] =	sst s5  }
0xe: {  	[smem:$0x3FB0] =	sst s6  }
0xf: {  	[smem:$0x3FB1] =	sst s7  }
0x10: {  	[smem:$0x3FB2] =	sst s8  }
0x11: {  	[smem:$0x3FB3] =	sst s9;
	s0 =	simm.s32 @!p0 $0x0  }
0x12: {  	s1 =	sld [smem:$0x3F99];
	s0 =	simm.s32 @p0 $0x1  }
0x13: {  	[smem:$0x3FB4] =	sst s0;
	s0 =	simm.s32 @!p1 $0x0  }
0x14: {  	s2 =	sld [smem:$0x3F98];
	s0 =	simm.s32 @p1 $0x1  }
0x15: {  	[smem:$0x3FB5] =	sst s0;
	s0 =	simm.s32 @!p2 $0x0  }
0x16: {  	s3 =	sld [smem:$0x3FDB];
	s0 =	simm.s32 @p2 $0x1  }
0x17: {  	s4 =	simm.s32 $0x1BF5;
	[smem:$0x3FB7] =	sst s0  }
0x18: {  	s0 =	sld [smem:$0x3F9A];
	_ =	swait.ge [sflag:s4], $0x0  }
0x19: {  	s7 =	sld [smem:$0x3F9B]  }
0x1a: {  	s8 =	sadd.s32 $0xFFFFE003, lr  }
0x1b: {  	s9 =	sadd.s32 $0xFFFFFEF7, lr;
	s5 =	simm.s32 $0xFFFFFFFF;
	p2 =	slt.u32 s8, $0xFFFFF086  }
0x1c: {  	p1 =	slt.u32 s9, $0xF7A;
	s5 =	simm.s32 @!p2 $0x0  }
0x1d: {  	s5 =	simm.s32 @p1 $0x1;
	p0 =	seq.s32 s7, s2  }
0x1e: {  	s7 =	smul.u32 @!p0 $0xF7A, s2;
	p2 =	seq.s32 @!p0 s5, $0x0  }
0x1f: {  	s9 =	smul.u32 $0xF7A, s1;
	s8 =	simm.s32 @!p0 $0x1BF5;
	p2 =	por !p2, p0  }
0x20: {  	[sflag:s8] =	ssyncset.s32 @!p0 $0xFFFFF086;
	s6 =	sadd.s32 @!p0 s3, s7;
	s7 =	simm.s32 @!p0 $0x108  }
0x21: {  	s3 =	sadd.s32 s3, s9;
	s6 =	sadd.s32 @!p0 $0x88, s6;
	s7 =	simm.s32 @p2 $0x1082  }
0x22: {  	[simem:s7], [sflag:s8] =	dma.local @!p0 [hbm:s6], $0xF7A  }
0x23: {  	s9 =	sor.u32 $0xD0000000, s2;
	s6 =	simm.s32 $0x108;
	_ =	swait.ge @!p0 [sflag:s8], $0x0  }
0x24: {  	s3 =	sadd.s32 $0x88, s3;
	s6 =	simm.s32 @!p1 $0x1082;
	[sflag:s4] =	ssyncset.s32 $0xFFFFF086  }
0x25: {  	[simem:s6], [sflag:s4] =	dma.local [hbm:s3], $0xF7A  }
0x26: {  	[smem:$0x3F9B] =	sst s1;
	(tag) =	ssettag s2;
	_ =	strace s9  }
0x27: {  	s1 =	sld [smem:$0x3FAB]  }
0x28: {  	s2 =	sld [smem:$0x3FAC]  }
0x29: {  	s4 =	sld [smem:$0x3FAE]  }
0x2a: {  	p0 =	seq.s32 s5, $0x0;
	s5 =	sld [smem:$0x3FAF]  }
0x2b: {  	s6 =	sld [smem:$0x3FB0]  }
0x2c: {  	s7 =	sld [smem:$0x3FB1]  }
0x2d: {  	s3 =	simm.s32 $0x108;
	s8 =	sld [smem:$0x3FB2]  }
0x2e: {  	s3 =	simm.s32 @!p0 $0x1082;
	s9 =	sld [smem:$0x3FB3]  }
0x2f: {  	lr =	sadd.s32 s0, s3;
	s0 =	sld [smem:$0x3FAA]  }
0x30: {  	s3 =	sld [smem:$0x3FAD]  }
0x31: {  	[smem:$0x3FB6] =	sst s10  }
0x32: {  	s10 =	sld [smem:$0x3FB4];
	_ =	sdelay $0x3  }
0x33: {  	p0 =	seq.s32 s10, $0x1;
	s10 =	sld [smem:$0x3FB6];
	_ =	sdelay $0x3  }
0x34: {  	[smem:$0x3FB6] =	sst s10  }
0x35: {  	s10 =	sld [smem:$0x3FB5];
	_ =	sdelay $0x3  }
0x36: {  	p1 =	seq.s32 s10, $0x1;
	s10 =	sld [smem:$0x3FB6];
	_ =	sdelay $0x3  }
0x37: {  	[smem:$0x3FB6] =	sst s10  }
0x38: {  	s10 =	sld [smem:$0x3FB7]  }
0x39: {  	_ = 	snop;
	(pc) =	sbr.ind lr, $3  }
0x3a: {  	_ = 	snop  }
0x3b: {  	_ = 	snop  }
0x3c: {  	p2 =	seq.s32 s10, $0x1;
	s10 =	sld [smem:$0x3FB6]  }
0x3d: {  	_ =	shalt  }
0x3e: {  	_ =	shalt  }
0x3f: {  	_ =	shalt  }
0x40: {  	_ =	shalt  }
0x41: {  	_ =	shalt  }
0x42: {  	_ =	shalt  }
0x43: {  	_ =	shalt  }
0x44: {  	_ =	shalt  }
0x45: {  	_ =	shalt  }
0x46: {  	_ =	shalt  }
0x47: {  	_ =	shalt  }
0x48: {  	_ =	shalt  }
0x49: {  	_ =	shalt  }
0x4a: {  	_ =	shalt  }
0x4b: {  	_ =	shalt  }
0x4c: {  	_ =	shalt  }
0x4d: {  	_ =	shalt  }
0x4e: {  	_ =	shalt  }
0x4f: {  	_ =	shalt  }
0x50: {  	_ =	shalt  }
0x51: {  	_ =	shalt  }
0x52: {  	_ =	shalt  }
0x53: {  	_ =	shalt  }
0x54: {  	_ =	shalt  }
0x55: {  	_ =	shalt  }
0x56: {  	_ =	shalt  }
0x57: {  	_ =	shalt  }
0x58: {  	_ =	shalt  }
0x59: {  	_ =	shalt  }
0x5a: {  	_ =	shalt  }
0x5b: {  	_ =	shalt  }
0x5c: {  	_ =	shalt  }
0x5d: {  	_ =	shalt  }
0x5e: {  	_ =	shalt  }
0x5f: {  	_ =	shalt  }
0x60: {  	_ =	shalt  }
0x61: {  	_ =	shalt  }
0x62: {  	_ =	shalt  }
0x63: {  	_ =	shalt  }
0x64: {  	_ =	shalt  }
0x65: {  	_ =	shalt  }
0x66: {  	_ =	shalt  }
0x67: {  	_ =	shalt  }
0x68: {  	_ =	shalt  }
0x69: {  	_ =	shalt  }
0x6a: {  	_ =	shalt  }
0x6b: {  	_ =	shalt  }
0x6c: {  	_ =	shalt  }
0x6d: {  	_ =	shalt  }
0x6e: {  	_ =	shalt  }
0x6f: {  	_ =	shalt  }
0x70: {  	_ =	shalt  }
0x71: {  	_ =	shalt  }
0x72: {  	_ =	shalt  }
0x73: {  	_ =	shalt  }
0x74: {  	_ =	shalt  }
0x75: {  	_ =	shalt  }
0x76: {  	_ =	shalt  }
0x77: {  	_ =	shalt  }
0x78: {  	_ =	shalt  }
0x79: {  	_ =	shalt  }
0x7a: {  	_ =	shalt  }
0x7b: {  	_ =	shalt  }
0x7c: {  	_ =	shalt  }
0x7d: {  	_ =	shalt  }
0x7e: {  	_ =	shalt  }
0x7f: {  	_ =	shalt  }
0x80: {  	_ =	shalt  }
0x81: {  	_ =	shalt  }
0x82: {  	_ =	shalt  }
0x83: {  	_ =	shalt  }
0x84: {  	_ =	shalt  }
0x85: {  	_ =	shalt  }
0x86: {  	_ =	shalt  }
0x87: {  	_ =	shalt  }
.Lfunc_end0:
.L_simem_size_0:
called_computation.2_lowered:
.L_overlay_start_0:
0x88: {  	s2 =	sld [smem:$0x3FD9]  }
0x89: {  	s3 =	sld [smem:$0x3FFE];
	_ =	sdelay $0x1  }
0x8a: {  	s1 =	srdreg.scid  }
0x8b: {  	s0 =	sand.u32 $0x1, s1  }
0x8c: {  	s17 =	sshll.u32 s0, $0xA;
	s2 =	sadd.s32 s3, s2  }
0x8d: {  	s2 =	sadd.s32 s2, s17  }
0x8e: {  	[smem:$0x3FC2] =	sst s2  }
0x8f: {  	_ = 	snop  }
0x90: {  	s2 =	sld [smem:$0x3FD0];
	(tm) =	ssettm $0x1  }
0x91: {  	s18 =	sld [smem:$0x3FFB];
	_ =	sdelay $0x3  }
0x92: {  	_ =	strace s18  }
0x93: {  	s3 =	sld [smem:$0x3FFC];
	_ =	sdelay $0x3  }
0x94: {  	_ =	strace s3  }
0x95: {  	s3 =	sld [smem:$0x3FFD];
	_ =	sdelay $0x3  }
0x96: {  	_ =	strace s3  }
0x97: {  	_ =	strace $0x8FFFFFFF  }
0x98: {  	s19 =	sld [smem:$0x3FDB];
	_ =	sdelay $0x1  }
0x99: {  	s4 =	simm.s32 $_scs_section_size  }
0x9a: {  	s5 =	simm.s32 $_size__tile_overlayer_lowered;
	s6 =	simm.s32 $_tile_overlayer_lowered  }
0x9b: {  	s22 =	simm.s32 $0x1BFF;
	s21 =	sshll.u32 s6, $0x1;
	s3 =	sadd.s32 s4, s19  }
0x9c: {  	s7 =	simm.s32 $0x0;
	s20 =	sshll.u32 s5, $0x1;
	s5 =	sadd.s32 s21, s3  }
0x9d: {  	[timem:s7], [sflag:s22] =	dma.local [hbm:s5], s20  }
0x9e: {  	_ =	swait.ge [sflag:s22], s20  }
0x9f: {  	s4 =	ssub.s32 $0x0, s20;
	[sflag:s22] =	ssyncset.done $0x0  }
0xa0: {  	[sflag:s22] =	ssyncadd.s32 s4;
	_ =	sdelay $0x1  }
0xa1: {  	s23 =	simm.s32 $0x1B8B  }
0xa2: {  	_ =	swait.ge [sflag:s23], $0x1  }
0xa3: {  	[sflag:s23] =	ssyncset.done $0x0  }
0xa4: {  	s25 =	simm.s32 $0x1B8E;
	s24 =	sld [smem:$0x3FFE];
	[sflag:s23] =	ssyncadd.s32 $0xFFFFFFFF  }
0xa5: {  	s26 =	simm.s32 $execute0_lowered;
	[smem:$0x3FD2] =	sst s25  }
0xa6: {  	s5 =	sshll.u32 s26, $0x1;
	_ =	strace $0x8000004C;
	[dreg:$0x1] =	wrdreg $0xFFFFFFFF  }
0xa7: {  	s28 =	simm.s32 $_size_execute0_lowered;
	s3 =	sadd.s32 s3, s5;
	[dreg:$0x0] =	wrdreg $0x0  }
0xa8: {  	s5 =	sshll.u32 s28, $0x1;
	[dreg:$0x2] =	wrdreg s3  }
0xa9: {  	[dreg:$0x3] =	wrdreg s5  }
0xaa: {  	[dreg:$0x4] =	wrdreg $0xC0  }
0xab: {  	_ =	task [dreg:s7], $0x5FFFF  }
0xac: {  	[dreg:$0x1] =	wrdreg $0xFFFFFFFF  }
0xad: {  	[dreg:$0x0] =	wrdreg $0x60  }
0xae: {  	[dreg:$0x2] =	wrdreg s2  }
0xaf: {  	[dreg:$0x3] =	wrdreg s24  }
0xb0: {  	[dreg:$0x4] =	wrdreg $0xA8000  }
0xb1: {  	[dreg:$0x5] =	wrdreg $0x9  }
0xb2: {  	_ =	task.clear_ibuf [dreg:s7], $0x6FFFF;
	_ =	strace $0x9000004C  }
0xb3: {  	s29 =	simm.s32 $0x9;
	_ =	strace $0x8000004E  }
0xb4: {  	_ =	swait.ge [sflag:s29], $0x1  }
0xb5: {  	[sflag:s29] =	ssyncadd.s32 $0xFFFFFFFF  }
0xb6: {  	_ =	strace $0x9000004E  }
0xb7: {  	_ =	sfence  }
0xb8: {  	s30 =	sld [smem:$0x0];
	_ =	sdelay $0x2  }
0xb9: {  	s31 =	sshll.u32 s1, $0xD;
	s1 =	sshrl.u32 s1, $0x2  }
0xba: {  	s3 =	sand.u32 $0x4000, s31;
	s1 =	sadd.s32 s1, s30  }
0xbb: {  	s0 =	sor.u32 s3, s0;
	s1 =	sshll.u32 s1, $0x11  }
0xbc: {  	s0 =	sor.u32 s1, s0  }
0xbd: {  	s0 =	sadd.s32 $0x8F2B, s0  }
0xbe: {  	[sflag:s0] =	ssyncadd.remote.s32 $0x1  }
0xbf: {  	_ =	sfence.sel $0xFFFF  }
0xc0: {  	[dreg:$0x0] =	wrdreg $0xFFFFFFFF;
	(pc) =	sbr.abs _section_cstart, $3  }
0xc1: {  	[dreg:$0x1] =	wrdreg $0xFFFFFFFF  }
0xc2: {  	_ =	task.clear_ibuf [dreg:s7], $0x2FFFF;
	_ =	strace $0x9FFFFFFF  }
0xc3: {  	(tm) =	ssettm $0x7FFFFFFF  }
tec
execute0_lowered:
.L_overlay_start_1:
0x0: {  	(tag) =	ssettag $0x1  }
0x1: {  	s2 =	rddreg [dreg:$0x0]  }
0x2: {  	s0 =	rddreg [dreg:$0x1]  }
0x3: {  	s3 =	rddreg [dreg:$0x2]  }
0x4: {  	s13 =	stileid.u32;
	s1 =	srdreg.scid  }
0x5: {  	s4 =	simm.s32 $0x0;
	s14 =	simm.s32 $0x3;
	s16 =	simm.s32 $0x20  }
0x6: {  	s17 =	simm.s32 $0x2800;
	s28 =	simm.s32 $0xC0;
	s29 =	simm.s32 $0x8800  }
0x7: {  	s30 =	simm.s32 $0xE0;
	s31 =	simm.s32 $0x9800;
	s5 =	smul.u32 $0x2780, s13  }
0x8: {  	s1 =	sand.u32 $0x1, s1;
	[smem:$0x7FF] =	sst s4;
	s7 =	sadd.s32 $0xD600, s0  }
0x9: {  	s8 =	sadd.s32 $0x3600, s0;
	s11 =	sshll.u32 s13, $0x1;
	s12 =	smul.u32 $0x4F000, s13  }
0xa: {  	s21 =	sshll.u32 s13, $0x6;
	s6 =	smul.u32 $0x27800, s1;
	_ =	strace $0x8000004D  }
0xb: {  	s18 =	ssub.s32 $0x2, s1;
	s1 =	sor.u32 s1, s11;
	s9 =	sadd.s32 s5, s0  }
0xc: {  	s10 =	sshrl.u32 s18, $0x1;
	s20 =	sshrl.u32 s12, $0x2;
	s1 =	smul.u32 $0x500, s1  }
0xd: {  	s5 =	sadd.s32 s5, s6;
	s19 =	ssub.s32 s18, s10;
	s22 =	sadd.s32 s20, s3  }
0xe: {  	s23 =	sadd.s32 $0x65A00, s9;
	s6 =	sor.u32 $0x1C03, s21;
	s18 =	simm.s32 $0x3800  }
0xf: {  	s20 =	simm.s32 $0x4800;
	s21 =	simm.s32 $0x60;
	s0 =	sadd.s32 s5, s0  }
0x10: {  	[dreg:$0x4] =	wrdreg s23;
	s24 =	smax.u32 s19, $0x1;
	s25 =	sadd.s32 $0x280, s1  }
0x11: {  	s26 =	sadd.s32 s7, s1;
	s1 =	sadd.s32 s8, s1;
	s13 =	sshrl.u32 s22, $0x3  }
0x12: {  	s19 =	simm.s32 $0x40;
	s22 =	simm.s32 $0x5800;
	[dreg:$0x6] =	wrdreg s24  }
0x13: {  	s23 =	simm.s32 $0x80;
	s5 =	simm.s32 $0x2700;
	[dreg:$0x7] =	wrdreg s26  }
0x14: {  	s0 =	sadd.s32 $0x8D200, s0;
	[dreg:$0x8] =	wrdreg s1;
	s11 =	sadd.s32 s7, s25  }
0x15: {  	s12 =	sadd.s32 s8, s25;
	s24 =	simm.s32 $0x6800;
	s25 =	simm.s32 $0xA0  }
0x16: {  	s26 =	simm.s32 $0x7800;
	s1 =	simm.s32 $0x2;
	s7 =	simm.s32 $0x2780  }
0x17: {  	s8 =	simm.s32 $0x0;
	[dreg:$0x5] =	wrdreg s0;
	s0 =	simm.s32 $0x1  }
.LBB2_1:
0x18: {  	s9 =	rddreg [dreg:$0x4]  }
0x19: {  	[spmem:s13], [sflag:s6] =	dma.local [hbm:s9], $0x2780  }
0x1a: {  	_ =	swait.ge [sflag:s14], $0x2780  }
0x1b: {  	[sflag:s14] =	ssyncset.done $0x0  }
0x1c: {  	[sflag:s14] =	ssyncadd.s32 $0xFFFFD880  }
0x1d: {  	[bflag:$0x0] =	sbarrier.arrive $0xFFFF  }
0x1e: {  	s10 =	rddreg [dreg:$0x7]  }
0x1f: {  	[tilespmem:s4], [sflag:$0x3] =	stream.linear.gather [hbm4b:s10+s4], $0x1400, $0x38;
	[tilespmem:$0x1E400] =	vst v63  }
0x20: {  	_ =	swait.ge [sflag:s14], $0x1400  }
0x21: {  	[sflag:s14] =	ssyncset.done $0x0  }
0x22: {  	s10 =	simm.s32 $0x1400;
	s15 =	rddreg [dreg:$0x8];
	[sflag:s14] =	ssyncadd.s32 $0xFFFFEC00  }
0x23: {  	[tilespmem:s10], [sflag:$0x3] =	stream.linear.gather [hbm4b:s15+s4], $0x1400, $0x38;
	[tilespmem:$0x1E400] =	vst v63  }
0x24: {  	_ =	swait.ge [sflag:s14], $0x1400  }
0x25: {  	[sflag:s14] =	ssyncset.done $0x0  }
0x26: {  	[sflag:s14] =	ssyncadd.s32 $0xFFFFEC00  }
0x27: {  	[tilespmem:s17], [sflag:$0x1] =	stream.indirect.gather [hbm4b:s2+s16], $0x80, s4, s16, $0xb8;
	[tilespmem:$0x1E400] =	vst v63  }
0x28: {  	_ = 	snop  }
0x29: {  	[tilespmem:s18], [sflag:$0x1] =	stream.indirect.gather [hbm4b:s2+s16], $0x80, s16, s16, $0xb8;
	[tilespmem:$0x1E400] =	vst v63  }
0x2a: {  	_ = 	snop  }
0x2b: {  	[tilespmem:s20], [sflag:$0x1] =	stream.indirect.gather [hbm4b:s2+s16], $0x80, s19, s16, $0xb8;
	[tilespmem:$0x1E400] =	vst v63  }
0x2c: {  	_ = 	snop  }
0x2d: {  	[tilespmem:s22], [sflag:$0x1] =	stream.indirect.gather [hbm4b:s2+s16], $0x80, s21, s16, $0xb8;
	[tilespmem:$0x1E400] =	vst v63  }
0x2e: {  	_ = 	snop  }
0x2f: {  	[tilespmem:s24], [sflag:$0x2] =	stream.indirect.gather [hbm4b:s2+s16], $0x80, s23, s16, $0xb8;
	[tilespmem:$0x1E400] =	vst v63  }
0x30: {  	_ = 	snop  }
0x31: {  	[tilespmem:s26], [sflag:$0x2] =	stream.indirect.gather [hbm4b:s2+s16], $0x80, s25, s16, $0xb8;
	[tilespmem:$0x1E400] =	vst v63  }
0x32: {  	_ = 	snop  }
0x33: {  	[tilespmem:s29], [sflag:$0x2] =	stream.indirect.gather [hbm4b:s2+s16], $0x80, s28, s16, $0xb8;
	[tilespmem:$0x1E400] =	vst v63  }
0x34: {  	_ = 	snop  }
0x35: {  	[tilespmem:s31], [sflag:$0x2] =	stream.indirect.gather [hbm4b:s2+s16], $0x80, s30, s16, $0xb8;
	[tilespmem:$0x1E400] =	vst v63  }
0x36: {  	_ =	swait.ge [sflag:s0], $0x4000  }
0x37: {  	[sflag:s0] =	ssyncset.done $0x0  }
0x38: {  	s15 =	simm.s32 $0x1400;
	[sflag:s0] =	ssyncadd.s32 $0xFFFFC000  }
0x39: {  	[spmem:s3] =	stream.indirect.scatter.add.f32 [tilespmem:s17], [sflag:$0x3], $0x80, s15, s23, $0xb8;
	[tilespmem:$0x1E400] =	vst v63  }
0x3a: {  	_ =	swait.ge [sflag:s14], $0x4000  }
0x3b: {  	[sflag:s14] =	ssyncset.done $0x0  }
0x3c: {  	s10 =	simm.s32 $0x100;
	[sflag:s14] =	ssyncadd.s32 $0xFFFFC000  }
0x3d: {  	[tilespmem:s17], [sflag:$0x1] =	stream.indirect.gather [hbm4b:s2+s16], $0x80, s10, s16, $0xb8;
	[tilespmem:$0x1E400] =	vst v63  }
0x3e: {  	s15 =	simm.s32 $0x120  }
0x3f: {  	[tilespmem:s18], [sflag:$0x1] =	stream.indirect.gather [hbm4b:s2+s16], $0x80, s15, s16, $0xb8;
	[tilespmem:$0x1E400] =	vst v63  }
0x40: {  	s10 =	simm.s32 $0x140  }
0x41: {  	[tilespmem:s20], [sflag:$0x1] =	stream.indirect.gather [hbm4b:s2+s16], $0x80, s10, s16, $0xb8;
	[tilespmem:$0x1E400] =	vst v63  }
0x42: {  	s15 =	simm.s32 $0x160  }
0x43: {  	[tilespmem:s22], [sflag:$0x1] =	stream.indirect.gather [hbm4b:s2+s16], $0x80, s15, s16, $0xb8;
	[tilespmem:$0x1E400] =	vst v63  }
0x44: {  	_ =	swait.ge [sflag:s1], $0x4000  }
0x45: {  	[sflag:s1] =	ssyncset.done $0x0  }
0x46: {  	s10 =	simm.s32 $0x1480;
	[sflag:s1] =	ssyncadd.s32 $0xFFFFC000  }
0x47: {  	[spmem:s3] =	stream.indirect.scatter.add.f32 [tilespmem:s24], [sflag:$0x3], $0x80, s10, s23, $0xb8;
	[tilespmem:$0x1E400] =	vst v63  }
0x48: {  	_ =	swait.ge [sflag:s14], $0x4000  }
0x49: {  	[sflag:s14] =	ssyncset.done $0x0  }
0x4a: {  	s15 =	simm.s32 $0x180;
	[sflag:s14] =	ssyncadd.s32 $0xFFFFC000  }
0x4b: {  	[tilespmem:s24], [sflag:$0x2] =	stream.indirect.gather [hbm4b:s2+s16], $0x80, s15, s16, $0xb8;
	[tilespmem:$0x1E400] =	vst v63  }
0x4c: {  	s10 =	simm.s32 $0x1A0  }
0x4d: {  	[tilespmem:s26], [sflag:$0x2] =	stream.indirect.gather [hbm4b:s2+s16], $0x80, s10, s16, $0xb8;
	[tilespmem:$0x1E400] =	vst v63  }
0x4e: {  	s9 =	simm.s32 $0x400;
	s15 =	simm.s32 $0x1C0;
	s10 =	simm.s32 $0x1E0  }
0x4f: {  	[tilespmem:s29], [sflag:$0x2] =	stream.indirect.gather [hbm4b:s2+s16], $0x80, s15, s16, $0xb8;
	[tilespmem:$0x1E400] =	vst v63  }
.LBB2_2:
0x50: {  	[tilespmem:s31], [sflag:$0x2] =	stream.indirect.gather [hbm4b:s2+s16], $0x80, s10, s16, $0xb8;
	[tilespmem:$0x1E400] =	vst v63  }
0x51: {  	s10 =	smov.u32 s9  }
0x52: {  	p0 =	sne.s32 s9, $0x4800;
	s9 =	sadd.s32 $0x400, s9;
	_ =	swait.ge [sflag:s0], $0x4000  }
0x53: {  	s10 =	sshra.s32 s10, $0x2;
	[sflag:s0] =	ssyncset.done $0x0  }
0x54: {  	s15 =	sadd.s32 $0x1400, s10;
	[sflag:s0] =	ssyncadd.s32 $0xFFFFC000  }
0x55: {  	[spmem:s3] =	stream.indirect.scatter.add.f32 [tilespmem:s17], [sflag:$0x3], $0x80, s15, s23, $0xb8;
	[tilespmem:$0x1E400] =	vst v63  }
0x56: {  	_ =	swait.ge [sflag:s14], $0x4000  }
0x57: {  	[sflag:s14] =	ssyncset.done $0x0  }
0x58: {  	s15 =	sadd.s32 $0x100, s10;
	[sflag:s14] =	ssyncadd.s32 $0xFFFFC000  }
0x59: {  	[tilespmem:s17], [sflag:$0x1] =	stream.indirect.gather [hbm4b:s2+s16], $0x80, s15, s16, $0xb8;
	[tilespmem:$0x1E400] =	vst v63  }
0x5a: {  	s15 =	sadd.s32 $0x120, s10  }
0x5b: {  	[tilespmem:s18], [sflag:$0x1] =	stream.indirect.gather [hbm4b:s2+s16], $0x80, s15, s16, $0xb8;
	[tilespmem:$0x1E400] =	vst v63  }
0x5c: {  	s15 =	sadd.s32 $0x140, s10  }
0x5d: {  	[tilespmem:s20], [sflag:$0x1] =	stream.indirect.gather [hbm4b:s2+s16], $0x80, s15, s16, $0xb8;
	[tilespmem:$0x1E400] =	vst v63  }
0x5e: {  	s15 =	sadd.s32 $0x160, s10  }
0x5f: {  	[tilespmem:s22], [sflag:$0x1] =	stream.indirect.gather [hbm4b:s2+s16], $0x80, s15, s16, $0xb8;
	[tilespmem:$0x1E400] =	vst v63  }
0x60: {  	_ =	swait.ge [sflag:s1], $0x4000  }
0x61: {  	[sflag:s1] =	ssyncset.done $0x0  }
0x62: {  	s15 =	sadd.s32 $0x1480, s10;
	[sflag:s1] =	ssyncadd.s32 $0xFFFFC000  }
0x63: {  	[spmem:s3] =	stream.indirect.scatter.add.f32 [tilespmem:s24], [sflag:$0x3], $0x80, s15, s23, $0xb8;
	[tilespmem:$0x1E400] =	vst v63  }
0x64: {  	_ =	swait.ge [sflag:s14], $0x4000  }
0x65: {  	[sflag:s14] =	ssyncset.done $0x0  }
0x66: {  	s15 =	sadd.s32 $0x180, s10;
	[sflag:s14] =	ssyncadd.s32 $0xFFFFC000  }
0x67: {  	[tilespmem:s24], [sflag:$0x2] =	stream.indirect.gather [hbm4b:s2+s16], $0x80, s15, s16, $0xb8;
	[tilespmem:$0x1E400] =	vst v63  }
.Ltmp0:
0x68: {  	s15 =	sadd.s32 $0x1A0, s10;
	(pc) =	sbr.rel @p0 .LBB2_2-.Ltmp0, $4  }
0x69: {  	[tilespmem:s26], [sflag:$0x2] =	stream.indirect.gather [hbm4b:s2+s16], $0x80, s15, s16, $0xb8;
	[tilespmem:$0x1E400] =	vst v63  }
0x6a: {  	s15 =	sadd.s32 $0x1C0, s10  }
0x6b: {  	[tilespmem:s29], [sflag:$0x2] =	stream.indirect.gather [hbm4b:s2+s16], $0x80, s15, s16, $0xb8;
	[tilespmem:$0x1E400] =	vst v63  }
0x6c: {  	s10 =	sadd.s32 $0x1E0, s10  }
0x6d: {  	[tilespmem:s31], [sflag:$0x2] =	stream.indirect.gather [hbm4b:s2+s16], $0x80, s10, s16, $0xb8;
	[tilespmem:$0x1E400] =	vst v63  }
0x6e: {  	_ =	swait.ge [sflag:s0], $0x4000  }
0x6f: {  	[sflag:s0] =	ssyncset.done $0x0  }
0x70: {  	[sflag:s0] =	ssyncadd.s32 $0xFFFFC000  }
0x71: {  	[spmem:s3] =	stream.indirect.scatter.add.f32 [tilespmem:s17], [sflag:$0x3], $0x80, s5, s23, $0xb8;
	[tilespmem:$0x1E400] =	vst v63  }
0x72: {  	_ =	swait.ge [sflag:s14], $0x4000  }
0x73: {  	[sflag:s14] =	ssyncset.done $0x0  }
0x74: {  	[sflag:s14] =	ssyncadd.s32 $0xFFFFC000  }
0x75: {  	_ =	swait.ge [sflag:s1], $0x4000  }
0x76: {  	[sflag:s1] =	ssyncset.done $0x0  }
0x77: {  	[sflag:s1] =	ssyncadd.s32 $0xFFFFC000  }
0x78: {  	[spmem:s3] =	stream.indirect.scatter.add.f32 [tilespmem:s24], [sflag:$0x3], $0x80, s7, s23, $0xb8;
	[tilespmem:$0x1E400] =	vst v63  }
0x79: {  	_ =	swait.ge [sflag:s14], $0x4000  }
0x7a: {  	[sflag:s14] =	ssyncset.done $0x0  }
0x7b: {  	s9 =	simm.s32 $0x0;
	[sflag:s14] =	ssyncadd.s32 $0xFFFFC000  }
0x7c: {  	[tilespmem:s9], [sflag:$0x3] =	stream.linear.gather [hbm4b:s11+s9], $0x1400, $0x38;
	[tilespmem:$0x1E400] =	vst v63  }
0x7d: {  	_ =	swait.ge [sflag:s14], $0x1400  }
0x7e: {  	[sflag:s14] =	ssyncset.done $0x0  }
0x7f: {  	s15 =	simm.s32 $0x1400;
	[sflag:s14] =	ssyncadd.s32 $0xFFFFEC00  }
0x80: {  	[tilespmem:s15], [sflag:$0x3] =	stream.linear.gather [hbm4b:s12+s9], $0x1400, $0x38;
	[tilespmem:$0x1E400] =	vst v63  }
0x81: {  	_ =	swait.ge [sflag:s14], $0x1400  }
0x82: {  	[sflag:s14] =	ssyncset.done $0x0  }
0x83: {  	[sflag:s14] =	ssyncadd.s32 $0xFFFFEC00  }
0x84: {  	[tilespmem:s17], [sflag:$0x1] =	stream.indirect.gather [hbm4b:s2+s16], $0x80, s9, s16, $0xb8;
	[tilespmem:$0x1E400] =	vst v63  }
0x85: {  	_ = 	snop  }
0x86: {  	[tilespmem:s18], [sflag:$0x1] =	stream.indirect.gather [hbm4b:s2+s16], $0x80, s16, s16, $0xb8;
	[tilespmem:$0x1E400] =	vst v63  }
0x87: {  	_ = 	snop  }
0x88: {  	[tilespmem:s20], [sflag:$0x1] =	stream.indirect.gather [hbm4b:s2+s16], $0x80, s19, s16, $0xb8;
	[tilespmem:$0x1E400] =	vst v63  }
0x89: {  	_ = 	snop  }
0x8a: {  	[tilespmem:s22], [sflag:$0x1] =	stream.indirect.gather [hbm4b:s2+s16], $0x80, s21, s16, $0xb8;
	[tilespmem:$0x1E400] =	vst v63  }
0x8b: {  	_ = 	snop  }
0x8c: {  	[tilespmem:s24], [sflag:$0x2] =	stream.indirect.gather [hbm4b:s2+s16], $0x80, s23, s16, $0xb8;
	[tilespmem:$0x1E400] =	vst v63  }
0x8d: {  	_ = 	snop  }
0x8e: {  	[tilespmem:s26], [sflag:$0x2] =	stream.indirect.gather [hbm4b:s2+s16], $0x80, s25, s16, $0xb8;
	[tilespmem:$0x1E400] =	vst v63  }
0x8f: {  	_ = 	snop  }
0x90: {  	[tilespmem:s29], [sflag:$0x2] =	stream.indirect.gather [hbm4b:s2+s16], $0x80, s28, s16, $0xb8;
	[tilespmem:$0x1E400] =	vst v63  }
0x91: {  	_ = 	snop  }
0x92: {  	[tilespmem:s31], [sflag:$0x2] =	stream.indirect.gather [hbm4b:s2+s16], $0x80, s30, s16, $0xb8;
	[tilespmem:$0x1E400] =	vst v63  }
0x93: {  	_ =	swait.ge [sflag:s0], $0x4000  }
0x94: {  	[sflag:s0] =	ssyncset.done $0x0  }
0x95: {  	s15 =	simm.s32 $0x1400;
	[sflag:s0] =	ssyncadd.s32 $0xFFFFC000  }
0x96: {  	[spmem:s3] =	stream.indirect.scatter.add.f32 [tilespmem:s17], [sflag:$0x3], $0x80, s15, s23, $0xb8;
	[tilespmem:$0x1E400] =	vst v63  }
0x97: {  	_ =	swait.ge [sflag:s14], $0x4000  }
0x98: {  	[sflag:s14] =	ssyncset.done $0x0  }
0x99: {  	s10 =	simm.s32 $0x100;
	[sflag:s14] =	ssyncadd.s32 $0xFFFFC000  }
0x9a: {  	[tilespmem:s17], [sflag:$0x1] =	stream.indirect.gather [hbm4b:s2+s16], $0x80, s10, s16, $0xb8;
	[tilespmem:$0x1E400] =	vst v63  }
0x9b: {  	s15 =	simm.s32 $0x120  }
0x9c: {  	[tilespmem:s18], [sflag:$0x1] =	stream.indirect.gather [hbm4b:s2+s16], $0x80, s15, s16, $0xb8;
	[tilespmem:$0x1E400] =	vst v63  }
0x9d: {  	s10 =	simm.s32 $0x140  }
0x9e: {  	[tilespmem:s20], [sflag:$0x1] =	stream.indirect.gather [hbm4b:s2+s16], $0x80, s10, s16, $0xb8;
	[tilespmem:$0x1E400] =	vst v63  }
0x9f: {  	s15 =	simm.s32 $0x160  }
0xa0: {  	[tilespmem:s22], [sflag:$0x1] =	stream.indirect.gather [hbm4b:s2+s16], $0x80, s15, s16, $0xb8;
	[tilespmem:$0x1E400] =	vst v63  }
0xa1: {  	_ =	swait.ge [sflag:s1], $0x4000  }
0xa2: {  	[sflag:s1] =	ssyncset.done $0x0  }
0xa3: {  	s10 =	simm.s32 $0x1480;
	[sflag:s1] =	ssyncadd.s32 $0xFFFFC000  }
0xa4: {  	[spmem:s3] =	stream.indirect.scatter.add.f32 [tilespmem:s24], [sflag:$0x3], $0x80, s10, s23, $0xb8;
	[tilespmem:$0x1E400] =	vst v63  }
0xa5: {  	_ =	swait.ge [sflag:s14], $0x4000  }
0xa6: {  	[sflag:s14] =	ssyncset.done $0x0  }
0xa7: {  	s15 =	simm.s32 $0x180;
	[sflag:s14] =	ssyncadd.s32 $0xFFFFC000  }
0xa8: {  	[tilespmem:s24], [sflag:$0x2] =	stream.indirect.gather [hbm4b:s2+s16], $0x80, s15, s16, $0xb8;
	[tilespmem:$0x1E400] =	vst v63  }
0xa9: {  	s10 =	simm.s32 $0x1A0  }
0xaa: {  	[tilespmem:s26], [sflag:$0x2] =	stream.indirect.gather [hbm4b:s2+s16], $0x80, s10, s16, $0xb8;
	[tilespmem:$0x1E400] =	vst v63  }
0xab: {  	s9 =	simm.s32 $0x400;
	s15 =	simm.s32 $0x1C0;
	s10 =	simm.s32 $0x1E0  }
0xac: {  	[tilespmem:s29], [sflag:$0x2] =	stream.indirect.gather [hbm4b:s2+s16], $0x80, s15, s16, $0xb8;
	[tilespmem:$0x1E400] =	vst v63  }
.LBB2_4:
0xad: {  	[tilespmem:s31], [sflag:$0x2] =	stream.indirect.gather [hbm4b:s2+s16], $0x80, s10, s16, $0xb8;
	[tilespmem:$0x1E400] =	vst v63  }
0xae: {  	s10 =	smov.u32 s9  }
0xaf: {  	p0 =	sne.s32 s9, $0x4800;
	s9 =	sadd.s32 $0x400, s9;
	_ =	swait.ge [sflag:s0], $0x4000  }
0xb0: {  	s10 =	sshra.s32 s10, $0x2;
	[sflag:s0] =	ssyncset.done $0x0  }
0xb1: {  	s15 =	sadd.s32 $0x1400, s10;
	[sflag:s0] =	ssyncadd.s32 $0xFFFFC000  }
0xb2: {  	[spmem:s3] =	stream.indirect.scatter.add.f32 [tilespmem:s17], [sflag:$0x3], $0x80, s15, s23, $0xb8;
	[tilespmem:$0x1E400] =	vst v63  }
0xb3: {  	_ =	swait.ge [sflag:s14], $0x4000  }
0xb4: {  	[sflag:s14] =	ssyncset.done $0x0  }
0xb5: {  	s15 =	sadd.s32 $0x100, s10;
	[sflag:s14] =	ssyncadd.s32 $0xFFFFC000  }
0xb6: {  	[tilespmem:s17], [sflag:$0x1] =	stream.indirect.gather [hbm4b:s2+s16], $0x80, s15, s16, $0xb8;
	[tilespmem:$0x1E400] =	vst v63  }
0xb7: {  	s15 =	sadd.s32 $0x120, s10  }
0xb8: {  	[tilespmem:s18], [sflag:$0x1] =	stream.indirect.gather [hbm4b:s2+s16], $0x80, s15, s16, $0xb8;
	[tilespmem:$0x1E400] =	vst v63  }
0xb9: {  	s15 =	sadd.s32 $0x140, s10  }
0xba: {  	[tilespmem:s20], [sflag:$0x1] =	stream.indirect.gather [hbm4b:s2+s16], $0x80, s15, s16, $0xb8;
	[tilespmem:$0x1E400] =	vst v63  }
0xbb: {  	s15 =	sadd.s32 $0x160, s10  }
0xbc: {  	[tilespmem:s22], [sflag:$0x1] =	stream.indirect.gather [hbm4b:s2+s16], $0x80, s15, s16, $0xb8;
	[tilespmem:$0x1E400] =	vst v63  }
0xbd: {  	_ =	swait.ge [sflag:s1], $0x4000  }
0xbe: {  	[sflag:s1] =	ssyncset.done $0x0  }
0xbf: {  	s15 =	sadd.s32 $0x1480, s10;
	[sflag:s1] =	ssyncadd.s32 $0xFFFFC000  }
0xc0: {  	[spmem:s3] =	stream.indirect.scatter.add.f32 [tilespmem:s24], [sflag:$0x3], $0x80, s15, s23, $0xb8;
	[tilespmem:$0x1E400] =	vst v63  }
0xc1: {  	_ =	swait.ge [sflag:s14], $0x4000  }
0xc2: {  	[sflag:s14] =	ssyncset.done $0x0  }
0xc3: {  	s15 =	sadd.s32 $0x180, s10;
	[sflag:s14] =	ssyncadd.s32 $0xFFFFC000  }
0xc4: {  	[tilespmem:s24], [sflag:$0x2] =	stream.indirect.gather [hbm4b:s2+s16], $0x80, s15, s16, $0xb8;
	[tilespmem:$0x1E400] =	vst v63  }
.Ltmp1:
0xc5: {  	s15 =	sadd.s32 $0x1A0, s10;
	(pc) =	sbr.rel @p0 .LBB2_4-.Ltmp1, $4  }
0xc6: {  	[tilespmem:s26], [sflag:$0x2] =	stream.indirect.gather [hbm4b:s2+s16], $0x80, s15, s16, $0xb8;
	[tilespmem:$0x1E400] =	vst v63  }
0xc7: {  	s15 =	sadd.s32 $0x1C0, s10  }
0xc8: {  	[tilespmem:s29], [sflag:$0x2] =	stream.indirect.gather [hbm4b:s2+s16], $0x80, s15, s16, $0xb8;
	[tilespmem:$0x1E400] =	vst v63  }
0xc9: {  	s10 =	sadd.s32 $0x1E0, s10  }
0xca: {  	[tilespmem:s31], [sflag:$0x2] =	stream.indirect.gather [hbm4b:s2+s16], $0x80, s10, s16, $0xb8;
	[tilespmem:$0x1E400] =	vst v63  }
0xcb: {  	_ =	swait.ge [sflag:s0], $0x4000  }
0xcc: {  	[sflag:s0] =	ssyncset.done $0x0  }
0xcd: {  	[sflag:s0] =	ssyncadd.s32 $0xFFFFC000  }
0xce: {  	[spmem:s3] =	stream.indirect.scatter.add.f32 [tilespmem:s17], [sflag:$0x3], $0x80, s5, s23, $0xb8;
	[tilespmem:$0x1E400] =	vst v63  }
0xcf: {  	_ =	swait.ge [sflag:s14], $0x4000  }
0xd0: {  	[sflag:s14] =	ssyncset.done $0x0  }
0xd1: {  	[sflag:s14] =	ssyncadd.s32 $0xFFFFC000  }
0xd2: {  	_ =	swait.ge [sflag:s1], $0x4000  }
0xd3: {  	[sflag:s1] =	ssyncset.done $0x0  }
0xd4: {  	[sflag:s1] =	ssyncadd.s32 $0xFFFFC000  }
0xd5: {  	[spmem:s3] =	stream.indirect.scatter.add.f32 [tilespmem:s24], [sflag:$0x3], $0x80, s7, s23, $0xb8;
	[tilespmem:$0x1E400] =	vst v63  }
0xd6: {  	_ =	swait.ge [sflag:s14], $0x4000  }
0xd7: {  	[sflag:s14] =	ssyncset.done $0x0  }
0xd8: {  	[sflag:s14] =	ssyncadd.s32 $0xFFFFC000  }
0xd9: {  	[bflag:$0x0] =	sbarrier.arrive $0xFFFF  }
0xda: {  	s9 =	rddreg [dreg:$0x5]  }
0xdb: {  	[hbm:s9], [sflag:s6] =	dma.local [spmem:s13], $0x2780  }
0xdc: {  	_ =	swait.ge [sflag:s14], $0x2780  }
0xdd: {  	s8 =	sadd.s32 $0x1, s8;
	s15 =	rddreg [dreg:$0x6]  }
0xde: {  	p0 =	sne.s32 s8, s15  }
.Ltmp2:
0xdf: {  	_ = 	snop;
	(pc) =	sbr.rel @p0 .LBB2_1-.Ltmp2, $3  }
0xe0: {  	_ =	sdelay $0x1  }
0xe1: {  	[sflag:s14] =	ssyncset.done $0x0  }
0xe2: {  	[sflag:s14] =	ssyncadd.s32 $0xFFFFD880  }
0xe3: {  	_ =	sfence.sel $0x180000  }
0xe4: {  	[bflag:$0x0] =	sbarrier.arrive $0xFFFF  }
0xe5: {  	_ =	strace $0x9000004D  }
0xe6: {  	s0 =	stileid.u32;
	[bflag:$0x2] =	sbarrier.arrive $0xFFFF  }
0xe7: {  	p0 =	sne.s32 s0, $0x0;
	s0 =	rddreg [dreg:$0x3]  }
0xe8: {  	s0 =	sadd.s32 @!p0 $0x100000, s0  }
0xe9: {  	[sflag:s0] =	ssyncadd.tile.s32 @!p0 $0x1;
	_ =	shalt  }
.Lfunc_end2:
_tile_overlayer_lowered:
.L_overlay_start_2:
0xea: {  	(tag) =	ssettag $0x2  }
0xeb: {  	s0 =	rddreg [dreg:$0x0];
	s2 =	stileid.u32  }
0xec: {  	s1 =	rddreg [dreg:$0x1];
	p0 =	sne.s32 s2, $0x0  }
0xed: {  	s3 =	rddreg [dreg:$0x2];
	[bflag:$0x3] =	sbarrier.arrive $0xFFFF;
	s2 =	simm.s32 @!p0 $0x1C03  }
0xee: {  	[timem:s3], [sflag:s2] =	dma.local @!p0 [hbm:s0], s1  }
0xef: {  	s0 =	simm.s32 @!p0 $0x3  }
0xf0: {  	_ =	swait.ge @!p0 [sflag:s0], s1  }
0xf1: {  	s1 =	ssub.s32 @!p0 $0x0, s1;
	[sflag:s0] =	ssyncset.done @!p0 $0x0  }
0xf2: {  	[sflag:s0] =	ssyncadd.s32 @!p0 s1  }
0xf3: {  	[bflag:$0x3] =	sbarrier.arrive $0xFFFF  }
0xf4: {  	_ =	shalt  }

// kernel: kernel.9.cloned.1.call-start
scs
__scs_entry_jumppad:
0x0: {  	(pc) =	sbr.rel $0x88, $3  }
0x1: {  	(tag) =	ssettag $0x0;
	lr =	simm.s32 $0x1  }
0x2: {  	[smem:$0x3F9B] =	sst lr;
	_ =	strace $0xD0000000  }
0x3: {  	_ = 	snop  }
0x4: {  	_ = 	snop  }
0x5: {  	_ = 	snop  }
0x6: {  	_ = 	snop  }
0x7: {  	_ = 	snop  }
__scs_overlays_trampoline_lowered:
0x8: {  	[smem:$0x3FAA] =	sst s0  }
0x9: {  	[smem:$0x3FAB] =	sst s1  }
0xa: {  	[smem:$0x3FAC] =	sst s2  }
0xb: {  	[smem:$0x3FAD] =	sst s3  }
0xc: {  	[smem:$0x3FAE] =	sst s4  }
0xd: {  	[smem:$0x3FAF] =	sst s5  }
0xe: {  	[smem:$0x3FB0] =	sst s6  }
0xf: {  	[smem:$0x3FB1] =	sst s7  }
0x10: {  	[smem:$0x3FB2] =	sst s8  }
0x11: {  	[smem:$0x3FB3] =	sst s9;
	s0 =	simm.s32 @!p0 $0x0  }
0x12: {  	s1 =	sld [smem:$0x3F99];
	s0 =	simm.s32 @p0 $0x1  }
0x13: {  	[smem:$0x3FB4] =	sst s0;
	s0 =	simm.s32 @!p1 $0x0  }
0x14: {  	s2 =	sld [smem:$0x3F98];
	s0 =	simm.s32 @p1 $0x1  }
0x15: {  	[smem:$0x3FB5] =	sst s0;
	s0 =	simm.s32 @!p2 $0x0  }
0x16: {  	s3 =	sld [smem:$0x3FDB];
	s0 =	simm.s32 @p2 $0x1  }
0x17: {  	s4 =	simm.s32 $0x1BF5;
	[smem:$0x3FB7] =	sst s0  }
0x18: {  	s0 =	sld [smem:$0x3F9A];
	_ =	swait.ge [sflag:s4], $0x0  }
0x19: {  	s7 =	sld [smem:$0x3F9B]  }
0x1a: {  	s8 =	sadd.s32 $0xFFFFE003, lr  }
0x1b: {  	s9 =	sadd.s32 $0xFFFFFEF7, lr;
	s5 =	simm.s32 $0xFFFFFFFF;
	p2 =	slt.u32 s8, $0xFFFFF086  }
0x1c: {  	p1 =	slt.u32 s9, $0xF7A;
	s5 =	simm.s32 @!p2 $0x0  }
0x1d: {  	s5 =	simm.s32 @p1 $0x1;
	p0 =	seq.s32 s7, s2  }
0x1e: {  	s7 =	smul.u32 @!p0 $0xF7A, s2;
	p2 =	seq.s32 @!p0 s5, $0x0  }
0x1f: {  	s9 =	smul.u32 $0xF7A, s1;
	s8 =	simm.s32 @!p0 $0x1BF5;
	p2 =	por !p2, p0  }
0x20: {  	[sflag:s8] =	ssyncset.s32 @!p0 $0xFFFFF086;
	s6 =	sadd.s32 @!p0 s3, s7;
	s7 =	simm.s32 @!p0 $0x108  }
0x21: {  	s3 =	sadd.s32 s3, s9;
	s6 =	sadd.s32 @!p0 $0x88, s6;
	s7 =	simm.s32 @p2 $0x1082  }
0x22: {  	[simem:s7], [sflag:s8] =	dma.local @!p0 [hbm:s6], $0xF7A  }
0x23: {  	s9 =	sor.u32 $0xD0000000, s2;
	s6 =	simm.s32 $0x108;
	_ =	swait.ge @!p0 [sflag:s8], $0x0  }
0x24: {  	s3 =	sadd.s32 $0x88, s3;
	s6 =	simm.s32 @!p1 $0x1082;
	[sflag:s4] =	ssyncset.s32 $0xFFFFF086  }
0x25: {  	[simem:s6], [sflag:s4] =	dma.local [hbm:s3], $0xF7A  }
0x26: {  	[smem:$0x3F9B] =	sst s1;
	(tag) =	ssettag s2;
	_ =	strace s9  }
0x27: {  	s1 =	sld [smem:$0x3FAB]  }
0x28: {  	s2 =	sld [smem:$0x3FAC]  }
0x29: {  	s4 =	sld [smem:$0x3FAE]  }
0x2a: {  	p0 =	seq.s32 s5, $0x0;
	s5 =	sld [smem:$0x3FAF]  }
0x2b: {  	s6 =	sld [smem:$0x3FB0]  }
0x2c: {  	s7 =	sld [smem:$0x3FB1]  }
0x2d: {  	s3 =	simm.s32 $0x108;
	s8 =	sld [smem:$0x3FB2]  }
0x2e: {  	s3 =	simm.s32 @!p0 $0x1082;
	s9 =	sld [smem:$0x3FB3]  }
0x2f: {  	lr =	sadd.s32 s0, s3;
	s0 =	sld [smem:$0x3FAA]  }
0x30: {  	s3 =	sld [smem:$0x3FAD]  }
0x31: {  	[smem:$0x3FB6] =	sst s10  }
0x32: {  	s10 =	sld [smem:$0x3FB4];
	_ =	sdelay $0x3  }
0x33: {  	p0 =	seq.s32 s10, $0x1;
	s10 =	sld [smem:$0x3FB6];
	_ =	sdelay $0x3  }
0x34: {  	[smem:$0x3FB6] =	sst s10  }
0x35: {  	s10 =	sld [smem:$0x3FB5];
	_ =	sdelay $0x3  }
0x36: {  	p1 =	seq.s32 s10, $0x1;
	s10 =	sld [smem:$0x3FB6];
	_ =	sdelay $0x3  }
0x37: {  	[smem:$0x3FB6] =	sst s10  }
0x38: {  	s10 =	sld [smem:$0x3FB7]  }
0x39: {  	_ = 	snop;
	(pc) =	sbr.ind lr, $3  }
0x3a: {  	_ = 	snop  }
0x3b: {  	_ = 	snop  }
0x3c: {  	p2 =	seq.s32 s10, $0x1;
	s10 =	sld [smem:$0x3FB6]  }
0x3d: {  	_ =	shalt  }
0x3e: {  	_ =	shalt  }
0x3f: {  	_ =	shalt  }
0x40: {  	_ =	shalt  }
0x41: {  	_ =	shalt  }
0x42: {  	_ =	shalt  }
0x43: {  	_ =	shalt  }
0x44: {  	_ =	shalt  }
0x45: {  	_ =	shalt  }
0x46: {  	_ =	shalt  }
0x47: {  	_ =	shalt  }
0x48: {  	_ =	shalt  }
0x49: {  	_ =	shalt  }
0x4a: {  	_ =	shalt  }
0x4b: {  	_ =	shalt  }
0x4c: {  	_ =	shalt  }
0x4d: {  	_ =	shalt  }
0x4e: {  	_ =	shalt  }
0x4f: {  	_ =	shalt  }
0x50: {  	_ =	shalt  }
0x51: {  	_ =	shalt  }
0x52: {  	_ =	shalt  }
0x53: {  	_ =	shalt  }
0x54: {  	_ =	shalt  }
0x55: {  	_ =	shalt  }
0x56: {  	_ =	shalt  }
0x57: {  	_ =	shalt  }
0x58: {  	_ =	shalt  }
0x59: {  	_ =	shalt  }
0x5a: {  	_ =	shalt  }
0x5b: {  	_ =	shalt  }
0x5c: {  	_ =	shalt  }
0x5d: {  	_ =	shalt  }
0x5e: {  	_ =	shalt  }
0x5f: {  	_ =	shalt  }
0x60: {  	_ =	shalt  }
0x61: {  	_ =	shalt  }
0x62: {  	_ =	shalt  }
0x63: {  	_ =	shalt  }
0x64: {  	_ =	shalt  }
0x65: {  	_ =	shalt  }
0x66: {  	_ =	shalt  }
0x67: {  	_ =	shalt  }
0x68: {  	_ =	shalt  }
0x69: {  	_ =	shalt  }
0x6a: {  	_ =	shalt  }
0x6b: {  	_ =	shalt  }
0x6c: {  	_ =	shalt  }
0x6d: {  	_ =	shalt  }
0x6e: {  	_ =	shalt  }
0x6f: {  	_ =	shalt  }
0x70: {  	_ =	shalt  }
0x71: {  	_ =	shalt  }
0x72: {  	_ =	shalt  }
0x73: {  	_ =	shalt  }
0x74: {  	_ =	shalt  }
0x75: {  	_ =	shalt  }
0x76: {  	_ =	shalt  }
0x77: {  	_ =	shalt  }
0x78: {  	_ =	shalt  }
0x79: {  	_ =	shalt  }
0x7a: {  	_ =	shalt  }
0x7b: {  	_ =	shalt  }
0x7c: {  	_ =	shalt  }
0x7d: {  	_ =	shalt  }
0x7e: {  	_ =	shalt  }
0x7f: {  	_ =	shalt  }
0x80: {  	_ =	shalt  }
0x81: {  	_ =	shalt  }
0x82: {  	_ =	shalt  }
0x83: {  	_ =	shalt  }
0x84: {  	_ =	shalt  }
0x85: {  	_ =	shalt  }
0x86: {  	_ =	shalt  }
0x87: {  	_ =	shalt  }
.Lfunc_end0:
.L_simem_size_0:
called_computation_lowered:
.L_overlay_start_0:
0x88: {  	s2 =	sld [smem:$0x3FD9]  }
0x89: {  	s3 =	sld [smem:$0x3FFE];
	_ =	sdelay $0x1  }
0x8a: {  	s1 =	srdreg.scid  }
0x8b: {  	s0 =	sand.u32 $0x1, s1  }
0x8c: {  	s16 =	sshll.u32 s0, $0xA;
	s2 =	sadd.s32 s3, s2  }
0x8d: {  	s2 =	sadd.s32 s2, s16  }
0x8e: {  	[smem:$0x3FC2] =	sst s2  }
0x8f: {  	_ = 	snop  }
0x90: {  	(tm) =	ssettm $0x1  }
0x91: {  	s17 =	sld [smem:$0x3FFB];
	_ =	sdelay $0x3  }
0x92: {  	_ =	strace s17  }
0x93: {  	s2 =	sld [smem:$0x3FFC];
	_ =	sdelay $0x3  }
0x94: {  	_ =	strace s2  }
0x95: {  	s2 =	sld [smem:$0x3FFD];
	_ =	sdelay $0x3  }
0x96: {  	_ =	strace s2  }
0x97: {  	_ =	strace $0x8FFFFFFF  }
0x98: {  	s18 =	sld [smem:$0x3FDB];
	_ =	sdelay $0x1  }
0x99: {  	s19 =	simm.s32 $_scs_section_size  }
0x9a: {  	s4 =	simm.s32 $_size__tile_overlayer_lowered;
	s5 =	simm.s32 $_tile_overlayer_lowered  }
0x9b: {  	s22 =	simm.s32 $0x1BFF;
	s21 =	sshll.u32 s5, $0x1;
	s2 =	sadd.s32 s19, s18  }
0x9c: {  	s6 =	simm.s32 $0x0;
	s20 =	sshll.u32 s4, $0x1;
	s4 =	sadd.s32 s21, s2  }
0x9d: {  	[timem:s6], [sflag:s22] =	dma.local [hbm:s4], s20  }
0x9e: {  	_ =	swait.ge [sflag:s22], s20  }
0x9f: {  	s3 =	ssub.s32 $0x0, s20;
	[sflag:s22] =	ssyncset.done $0x0  }
0xa0: {  	[sflag:s22] =	ssyncadd.s32 s3;
	_ =	sdelay $0x1  }
0xa1: {  	s23 =	simm.s32 $0x1B8B  }
0xa2: {  	_ =	swait.ge [sflag:s23], $0x1  }
0xa3: {  	[sflag:s23] =	ssyncset.done $0x0  }
0xa4: {  	s25 =	simm.s32 $0x1B8E;
	s24 =	sld [smem:$0x3FFE];
	[sflag:s23] =	ssyncadd.s32 $0xFFFFFFFF  }
0xa5: {  	s26 =	simm.s32 $execute0_lowered;
	[smem:$0x3FD2] =	sst s25  }
0xa6: {  	s4 =	sshll.u32 s26, $0x1;
	_ =	strace $0x80000046;
	[dreg:$0x1] =	wrdreg $0xFFFFFFFF  }
0xa7: {  	s28 =	simm.s32 $_size_execute0_lowered;
	s2 =	sadd.s32 s2, s4;
	[dreg:$0x0] =	wrdreg $0x0  }
0xa8: {  	s4 =	sshll.u32 s28, $0x1;
	[dreg:$0x2] =	wrdreg s2  }
0xa9: {  	[dreg:$0x3] =	wrdreg s4  }
0xaa: {  	[dreg:$0x4] =	wrdreg $0xC0  }
0xab: {  	_ =	task [dreg:s6], $0x5FFFF  }
0xac: {  	[dreg:$0x1] =	wrdreg $0xFFFFFFFF  }
0xad: {  	[dreg:$0x0] =	wrdreg $0x60  }
0xae: {  	[dreg:$0x2] =	wrdreg s24  }
0xaf: {  	[dreg:$0x3] =	wrdreg $0x68000  }
0xb0: {  	[dreg:$0x4] =	wrdreg $0x9  }
0xb1: {  	_ =	task.clear_ibuf [dreg:s6], $0x5FFFF;
	_ =	strace $0x90000046  }
0xb2: {  	s29 =	simm.s32 $0x9;
	_ =	strace $0x80000048  }
0xb3: {  	_ =	swait.ge [sflag:s29], $0x1  }
0xb4: {  	[sflag:s29] =	ssyncadd.s32 $0xFFFFFFFF  }
0xb5: {  	_ =	strace $0x90000048  }
0xb6: {  	_ =	sfence  }
0xb7: {  	s30 =	sld [smem:$0x0];
	_ =	sdelay $0x2  }
0xb8: {  	s31 =	sshll.u32 s1, $0xD;
	s1 =	sshrl.u32 s1, $0x2  }
0xb9: {  	s3 =	sand.u32 $0x4000, s31;
	s1 =	sadd.s32 s1, s30  }
0xba: {  	s0 =	sor.u32 s3, s0;
	s1 =	sshll.u32 s1, $0x11  }
0xbb: {  	s0 =	sor.u32 s1, s0  }
0xbc: {  	s0 =	sadd.s32 $0x8F2B, s0  }
0xbd: {  	[sflag:s0] =	ssyncadd.remote.s32 $0x1  }
0xbe: {  	_ =	sfence.sel $0xFFFF  }
0xbf: {  	[dreg:$0x0] =	wrdreg $0xFFFFFFFF;
	(pc) =	sbr.abs _section_cstart, $3  }
0xc0: {  	[dreg:$0x1] =	wrdreg $0xFFFFFFFF  }
0xc1: {  	_ =	task.clear_ibuf [dreg:s6], $0x2FFFF;
	_ =	strace $0x9FFFFFFF  }
0xc2: {  	(tm) =	ssettm $0x7FFFFFFF  }
0xc3: {  	_ =	shalt  }
tec
execute0_lowered:
.L_overlay_start_1:
0x0: {  	(tag) =	ssettag $0x1  }
0x1: {  	s1 =	srdreg.scid;
	s5 =	rddreg [dreg:$0x0]  }
0x2: {  	s0 =	stileid.u32;
	s2 =	rddreg [dreg:$0x1]  }
0x3: {  	s3 =	simm.s32 $0x0;
	s12 =	simm.s32 $0x2800;
	s7 =	smul.u32 $0x2780, s0  }
0x4: {  	s4 =	sand.u32 $0x1, s1;
	s26 =	sshll.u32 s0, $0x1;
	s9 =	smul.u32 $0x4F000, s0  }
0x5: {  	[smem:$0x7FF] =	sst s3;
	s1 =	sor.u32 s4, s26;
	s8 =	smul.u32 $0x27800, s4  }
0x6: {  	s31 =	sshll.u32 s0, $0x6;
	s4 =	ssub.s32 $0x2, s4;
	s6 =	smul.u32 $0x500, s1  }
0x7: {  	s1 =	rddreg [dreg:$0x2];
	_ =	strace $0x80000047;
	s10 =	sadd.s32 s7, s5  }
0x8: {  	s28 =	sshrl.u32 s4, $0x1;
	s29 =	sshrl.u32 s9, $0x2;
	s9 =	sor.u32 $0x1C01, s31  }
0x9: {  	s7 =	sadd.s32 s7, s8;
	s30 =	ssub.s32 s4, s28;
	s11 =	sadd.s32 s29, s2  }
0xa: {  	s8 =	simm.s32 $0x1;
	s6 =	sadd.s32 s6, s5;
	s7 =	sadd.s32 s7, s5  }
0xb: {  	s5 =	sadd.s32 $0x17600, s10;
	s10 =	sshrl.u32 s11, $0x3;
	s11 =	simm.s32 $0x80  }
0xc: {  	v0 =	vimm.f32 $1.000000000e+00;
	s4 =	sadd.s32 $0x3600, s6;
	s6 =	sadd.s32 $0x3EE00, s7;
	s7 =	smax.u32 s30, $0x1  }
.LBB2_1:
0xd: {  	s13 =	simm.s32 $0x200;
	s14 =	simm.s32 $0x0  }
.LBB2_2:
0xe: {  	p0 =	sne.s32 s13, $0xFE00;
	[tilespmem:s14+$0x2800] =	vst v0;
	s14 =	smov.u32 s13;
	s13 =	sadd.s32 $0x200, s13  }
.Ltmp0:
0xf: {  	(pc) =	sbr.rel @p0 .LBB2_2-.Ltmp0, $2  }
0x10: {  	_ =	sdelay $0x2  }
0x11: {  	s14 =	sshra.s32 s14, $0x2  }
0x12: {  	[tilespmem:s14+$0x2800] =	vst v0;
	s13 =	simm.s32 $0x0  }
0x13: {  	[tilespmem:s13], [sflag:$0x1] =	stream.linear.gather [hbm4b:s4+s13], $0x2800, $0x38;
	[tilespmem:$0x8F80] =	vst v63  }
0x14: {  	_ =	swait.ge [sflag:s8], $0x2800  }
0x15: {  	[sflag:s8] =	ssyncset.done $0x0  }
0x16: {  	[sflag:s8] =	ssyncadd.s32 $0xFFFFD800  }
0x17: {  	[spmem:s10], [sflag:s9] =	dma.local [hbm:s5], $0x2780  }
0x18: {  	_ =	swait.ge [sflag:s8], $0x2780  }
0x19: {  	[sflag:s8] =	ssyncset.done $0x0  }
0x1a: {  	[sflag:s8] =	ssyncadd.s32 $0xFFFFD880  }
0x1b: {  	s31 =	simm.s32 $0x0;
	[bflag:$0x0] =	sbarrier.arrive $0xFFFF  }
0x1c: {  	[spmem:s2] =	stream.indirect.scatter.add.f32 [tilespmem:s12], [sflag:$0x1], $0x10, s31, s11, $0xb8;
	[tilespmem:$0x8F80] =	vst v63  }
0x1d: {  	_ =	swait.ge [sflag:s8], $0x800  }
0x1e: {  	s13 =	simm.s32 $0x200;
	[sflag:s8] =	ssyncset.done $0x0  }
.LBB2_4:
0x1f: {  	s14 =	sshra.s32 s13, $0x2;
	[sflag:s8] =	ssyncadd.s32 $0xFFFFF800;
	p0 =	sne.s32 s13, $0x9E00  }
0x20: {  	[spmem:s2] =	stream.indirect.scatter.add.f32 [tilespmem:s12], [sflag:$0x1], $0x10, s14, s11, $0xb8;
	[tilespmem:$0x8F80] =	vst v63  }
.Ltmp1:
0x21: {  	_ = 	snop;
	(pc) =	sbr.rel @p0 .LBB2_4-.Ltmp1, $4  }
0x22: {  	_ = 	snop  }
0x23: {  	s13 =	sadd.s32 $0x200, s13  }
0x24: {  	_ =	swait.ge [sflag:s8], $0x800  }
0x25: {  	[sflag:s8] =	ssyncset.done $0x0  }
0x26: {  	s3 =	sadd.s32 $0x1, s3  }
0x27: {  	[sflag:s8] =	ssyncadd.s32 $0xFFFFF800;
	p0 =	sne.s32 s3, s7  }
.Ltmp2:
0x28: {  	[bflag:$0x0] =	sbarrier.arrive $0xFFFF;
	(pc) =	sbr.rel @p0 .LBB2_1-.Ltmp2, $4  }
0x29: {  	[hbm:s6], [sflag:s9] =	dma.local [spmem:s10], $0x2780  }
0x2a: {  	_ =	swait.ge [sflag:s8], $0x2780  }
0x2b: {  	[sflag:s8] =	ssyncset.done $0x0  }
0x2c: {  	[sflag:s8] =	ssyncadd.s32 $0xFFFFD880  }
0x2d: {  	_ =	sfence.sel $0x180000  }
0x2e: {  	[bflag:$0x0] =	sbarrier.arrive $0xFFFF  }
0x2f: {  	p0 =	sne.s32 s0, $0x0;
	_ =	strace $0x90000047  }
0x30: {  	s0 =	sadd.s32 @!p0 $0x100000, s1;
	[bflag:$0x2] =	sbarrier.arrive $0xFFFF  }
0x31: {  	[sflag:s0] =	ssyncadd.tile.s32 @!p0 $0x1;
	_ =	shalt  }
.Lfunc_end2:
_tile_overlayer_lowered:
.L_overlay_start_2:
0x32: {  	(tag) =	ssettag $0x2  }
0x33: {  	s0 =	rddreg [dreg:$0x0];
	s2 =	stileid.u32  }
0x34: {  	s1 =	rddreg [dreg:$0x1];
	p0 =	sne.s32 s2, $0x0  }
0x35: {  	s3 =	rddreg [dreg:$0x2];
	[bflag:$0x3] =	sbarrier.arrive $0xFFFF;
	s2 =	simm.s32 @!p0 $0x1C01  }
0x36: {  	[timem:s3], [sflag:s2] =	dma.local @!p0 [hbm:s0], s1  }
0x37: {  	s0 =	simm.s32 @!p0 $0x1  }
0x38: {  	_ =	swait.ge @!p0 [sflag:s0], s1  }
0x39: {  	s1 =	ssub.s32 @!p0 $0x0, s1;
	[sflag:s0] =	ssyncset.done @!p0 $0x0  }
0x3a: {  	[sflag:s0] =	ssyncadd.s32 @!p0 s1  }
0x3b: {  	[bflag:$0x3] =	sbarrier.arrive $0xFFFF  }
0x3c: {  	_ =	shalt  }

</sc_bundles>
